<compile_context>
chip_gen: v7x
topology: tpu7x:2x2x1
jax: 0.10.2.dev20260603
libtpu: 0.0.44.dev20260713+nightly
codegen_flags: <defaults>
</compile_context>

<pallas_src>
import jax
import jax.numpy as jnp
from jax import lax
from jax.experimental import pallas as pl
from jax.experimental.pallas import tpu as pltpu
from jax.experimental.pallas import tpu_sc as plsc

_W_POS = 15.0
_W_NEG = 1.0
_W_KWORST = 5.0

_B, _C, _H, _W = 8, 11, 384, 384
_ROWS_PER_STEP = 192
_STEPS_PER_BATCH = _H // _ROWS_PER_STEP
_GRID = _B * _STEPS_PER_BATCH
_N_PIX = _B * _H * _W
_BITS_ROWS = _GRID * _ROWS_PER_STEP

_SC_TILES = 16
_SC_CHUNK = _N_PIX // _SC_TILES
_SC_VECS = _SC_CHUNK // 16
_SC_PASSES = ((31, 20, 11), (20, 10, 10), (10, 0, 10))


def _stream_kernel(yp_ref, y_ref, acc_ref, bits_ref):
    step = pl.program_id(0)

    @pl.when(step == 0)
    def _init():
        acc_ref[0] = 0.0
        acc_ref[1] = 0.0
        acc_ref[2] = 0.0
        acc_ref[3] = 0.0

    yp = yp_ref[0]
    yv = y_ref[0]

    logit = yp[0]
    mask = (yv[0] != 1).astype(jnp.float32)
    bce = (jnp.maximum(logit, 0.0) - logit * mask
           + jnp.log1p(jnp.exp(-jnp.abs(logit))))
    neg = bce * (1.0 - mask)

    cls_logits = yp[1:]
    tgt_i = yv[1:]
    mx = jnp.max(cls_logits, axis=0)
    lse = mx + jnp.log(jnp.sum(jnp.exp(cls_logits - mx), axis=0))
    t_sum = jnp.sum(tgt_i, axis=0).astype(jnp.float32)
    tx_sum = jnp.sum(jnp.where(tgt_i == 1, cls_logits, 0.0), axis=0)
    cls_pix = t_sum * lse - tx_sum

    acc_ref[0] += jnp.sum(mask)
    acc_ref[1] += jnp.sum(bce * mask)
    acc_ref[2] += jnp.sum(bce)
    acc_ref[3] += jnp.sum(cls_pix * mask)

    bits_ref[...] = jax.lax.bitcast_convert_type(neg, jnp.int32)

    @pl.when(step == _GRID - 1)
    def _finalize():
        n_pos = acc_ref[0]
        pos_sum = acc_ref[1]
        neg_sum = acc_ref[2] - pos_sum
        n_pos_i = n_pos.astype(jnp.int32)
        kf = jnp.maximum(n_pos_i, 1).astype(jnp.float32)
        nf = jnp.maximum(_N_PIX - n_pos_i, 1).astype(jnp.float32)
        acc_ref[4] = (_W_POS * pos_sum / kf + _W_NEG * neg_sum / nf
                      + _W_KWORST * neg_sum / kf + acc_ref[3] / kf)


def _sc_select(bits_hbm, k_hbm, out_hbm, data_v, kv_v, hist_v, merged_v,
               all_v, res_v, shared_h):
    wid = lax.axis_index("s")
    base = wid * _SC_CHUNK
    pltpu.sync_copy(bits_hbm.at[pl.ds(base, _SC_CHUNK)], data_v)
    pltpu.sync_copy(k_hbm, kv_v)
    kvec = kv_v[...]

    iota = lax.iota(jnp.int32, 16)
    zeros16 = jnp.zeros((16,), jnp.int32)
    ones16 = jnp.ones((16,), jnp.int32)

    pfx = zeros16
    cnt_gt = zeros16
    krem = kvec

    for (hi, sh, w) in _SC_PASSES:
        def _zero_hist(j, c):
            hist_v[pl.ds(j * 16, 16)] = zeros16
            return c

        lax.fori_loop(0, 128, _zero_hist, 0)

        def _hist_body(i, c, hi=hi, sh=sh, w=w):
            v = data_v[pl.ds(i * 16, 16)]
            m = jnp.right_shift(v, hi) == pfx
            d = jnp.right_shift(v, sh) & ((1 << w) - 1)
            plsc.addupdate_scatter(hist_v, [d], ones16, mask=m)
            return c

        lax.fori_loop(0, _SC_VECS, _hist_body, 0)

        pltpu.sync_copy(hist_v, shared_h.at[wid])
        plsc.subcore_barrier()
        pltpu.sync_copy(shared_h, all_v)
        plsc.subcore_barrier()

        def _merge_body(j, c):
            s = zeros16
            for t in range(_SC_TILES):
                s = s + all_v[t, pl.ds(j * 16, 16)]
            merged_v[pl.ds(j * 16, 16)] = s
            return c

        lax.fori_loop(0, 128, _merge_body, 0)

        def _scan_body(t, carry):
            found, dstar, run = carry
            j = 127 - t
            c = merged_v[pl.ds(j * 16, 16)]
            rc = lax.rev(c, (0,))
            cs = plsc.cumsum(rc)
            m = (run + cs) >= krem
            npop = plsc.all_reduce_population_count(m)
            ffs = plsc.all_reduce_ffs(m)
            found_now = npop > 0
            d_cand = (16 * j + 15) - ffs
            take = jnp.logical_and(found == 0, found_now)
            dstar = jnp.where(take, d_cand, dstar)
            found = jnp.where(found_now, ones16, found)
            run = jnp.where(found == 0, run + jnp.sum(c), run)
            return found, dstar, run

        _, dstar, _ = lax.fori_loop(
            0, 128, _scan_body, (zeros16, zeros16, zeros16))

        def _cnt_body(j, acc):
            bins = iota + 16 * j
            c = merged_v[pl.ds(j * 16, 16)]
            return acc + jnp.where(bins > dstar, c, zeros16)

        above = lax.fori_loop(0, 128, _cnt_body, zeros16)
        cnt_pass = jnp.sum(above)
        cnt_gt = cnt_gt + cnt_pass
        krem = krem - cnt_pass
        pfx = jnp.left_shift(pfx, w) | dstar

    @pl.when(wid == 0)
    def _emit():
        res_v[...] = jnp.where(iota == 0, pfx,
                               jnp.where(iota == 1, cnt_gt, zeros16))
        pltpu.sync_copy(res_v, out_hbm)


_sc_select_call = pl.kernel(
    _sc_select,
    out_type=jax.ShapeDtypeStruct((16,), jnp.int32),
    mesh=plsc.VectorSubcoreMesh(
        core_axis_name="c", subcore_axis_name="s", num_cores=1),
    compiler_params=pltpu.CompilerParams(needs_layout_passes=False),
    scratch_types=[
        pltpu.VMEM((_SC_CHUNK,), jnp.int32),
        pltpu.VMEM((16,), jnp.int32),
        pltpu.VMEM((2048,), jnp.int32),
        pltpu.VMEM((2048,), jnp.int32),
        pltpu.VMEM((_SC_TILES, 2048), jnp.int32),
        pltpu.VMEM((16,), jnp.int32),
        pltpu.VMEM_SHARED((_SC_TILES, 2048), jnp.int32),
    ],
)


def _finish_kernel(bits_ref, sel_ref, acc_ref, out_ref):
    tb = sel_ref[0]
    bits = bits_ref[...]
    vals = jax.lax.bitcast_convert_type(bits, jnp.float32)
    gt = bits > tb
    cnt_gt = jnp.sum(gt.astype(jnp.int32))
    sum_gt = jnp.sum(jnp.where(gt, vals, 0.0))
    tstar = jax.lax.bitcast_convert_type(tb, jnp.float32)

    n_pos = acc_ref[0]
    pos_sum = acc_ref[1]
    neg_sum = acc_ref[2] - pos_sum
    cls_sum = acc_ref[3]
    n_pos_i = n_pos.astype(jnp.int32)
    k = jnp.maximum(n_pos_i, 1)
    kf = k.astype(jnp.float32)
    nf = jnp.maximum(_N_PIX - n_pos_i, 1).astype(jnp.float32)
    kworst = sum_gt + (k - cnt_gt).astype(jnp.float32) * tstar
    out_ref[0, 0] = (_W_POS * pos_sum / kf + _W_NEG * neg_sum / nf
                     + _W_KWORST * kworst / kf + cls_sum / kf)


@jax.jit
def kernel(y_pred, y):
    acc, bits = pl.pallas_call(
        _stream_kernel,
        grid=(_GRID,),
        in_specs=[
            pl.BlockSpec((1, _C, _ROWS_PER_STEP, _W),
                         lambda i: (i // _STEPS_PER_BATCH, 0,
                                    i % _STEPS_PER_BATCH, 0)),
            pl.BlockSpec((1, _C, _ROWS_PER_STEP, _W),
                         lambda i: (i // _STEPS_PER_BATCH, 0,
                                    i % _STEPS_PER_BATCH, 0)),
        ],
        out_specs=[
            pl.BlockSpec(memory_space=pltpu.SMEM),
            pl.BlockSpec((_ROWS_PER_STEP, _W), lambda i: (i, 0)),
        ],
        out_shape=[
            jax.ShapeDtypeStruct((8,), jnp.float32),
            jax.ShapeDtypeStruct((_BITS_ROWS, _W), jnp.int32),
        ],
    )(y_pred, y)

    n_pos_i = acc[0].astype(jnp.int32)
    k = jnp.maximum(n_pos_i, 1)
    easy = k >= (_N_PIX - n_pos_i)

    def _easy_path():
        return acc[4]

    def _hard_path():
        sel = _sc_select_call(bits.reshape(-1), jnp.full((16,), k, jnp.int32))
        out = pl.pallas_call(
            _finish_kernel,
            in_specs=[
                pl.BlockSpec((_BITS_ROWS, _W), lambda: (0, 0)),
                pl.BlockSpec(memory_space=pltpu.SMEM),
                pl.BlockSpec(memory_space=pltpu.SMEM),
            ],
            out_specs=pl.BlockSpec(memory_space=pltpu.SMEM),
            out_shape=jax.ShapeDtypeStruct((1, 1), jnp.float32),
        )(bits, sel, acc)
        return out[0, 0]

    return lax.cond(easy, _easy_path, _hard_path)

# --- scband reference (transcript-rebuilt; emitter-appended) ---
"""Pipeline reference for scband-detection-classification-loss-52639119179908 (READ-ONLY COPY).

The authoritative reference and input builder live on the scoring server;
editing this copy changes nothing except your own understanding.
"""

import jax, jax.numpy as jnp
import numpy as np

WEIGHT_POSITIVE = 15.0
WEIGHT_NEGATIVE = 1.0
WEIGHT_K_WORST_NEGATIVE = 5.0
DETECTION_LOSS_WEIGHT = 1.0
CLASSIFICATION_LOSS_WEIGHT = 1.0


def setup_inputs(seed: int = 0) -> dict:
    key = jax.random.key(seed)
    k1, k2 = jax.random.split(key)
    y_pred = jax.random.normal(k1, (8, 11, 384, 384), dtype=jnp.float32)
    y = jax.random.randint(k2, (8, 11, 384, 384), 0, 2, dtype=jnp.int32)
    return {"y_pred": y_pred, "y": y}


def _bce_with_logits(logits, targets):
    # numerically stable BCEWithLogitsLoss, reduction='none'
    return jnp.maximum(logits, 0.0) - logits * targets + jnp.log1p(jnp.exp(-jnp.abs(logits)))


def reference(y_pred, y):
    y_bin_logit = y_pred[:, 0]
    y_positive_mask = (y[:, 0] != 1).astype(jnp.float32)
    positive_pixels_count = jnp.maximum(jnp.sum(y_positive_mask).astype(jnp.int32), 1)
    negative_pixels_count = jnp.maximum(jnp.sum(1.0 - y_positive_mask).astype(jnp.int32), 1)

    detection_bin_crossentropy_loss = _bce_with_logits(y_bin_logit, y_positive_mask)
    detection_positive_loss_pixels = detection_bin_crossentropy_loss * y_positive_mask
    detection_positive_loss = detection_positive_loss_pixels.sum() / positive_pixels_count
    detection_negative_loss_pixels = detection_bin_crossentropy_loss * (1.0 - y_positive_mask)
    detection_negative_loss = detection_negative_loss_pixels.sum() / negative_pixels_count

    flat_negative_loss = detection_negative_loss_pixels.reshape(-1)
    n_total = flat_negative_loss.shape[0]
    sorted_vals, _ = jax.lax.top_k(flat_negative_loss, n_total)
    keep_mask = (jnp.arange(n_total) < positive_pixels_count).astype(sorted_vals.dtype)
    detection_k_worst_negative_loss = (sorted_vals * keep_mask).sum() / positive_pixels_count

    detection_loss = (WEIGHT_POSITIVE * detection_positive_loss
                      + WEIGHT_NEGATIVE * detection_negative_loss
                      + WEIGHT_K_WORST_NEGATIVE * detection_k_worst_negative_loss)

    # CrossEntropyLoss with soft (probability) targets, reduction='none'
    class_logits = y_pred[:, 1:]
    class_targets = y[:, 1:].astype(y_pred.dtype)
    log_probs = jax.nn.log_softmax(class_logits, axis=1)
    class_loss_pixels = -(class_targets * log_probs).sum(axis=1)
    class_loss = (class_loss_pixels * y_positive_mask).sum() / positive_pixels_count

    total_loss = DETECTION_LOSS_WEIGHT * detection_loss + CLASSIFICATION_LOSS_WEIGHT * class_loss
    return total_loss

if __name__ == "__main__":
    import jax
    _d = setup_inputs()
    print(jax.jit(kernel)(*tuple(_d.values())))

</pallas_src>

<mosaic_0001>
#map = affine_map<(d0, d1) -> (0)>
module attributes {stable_mosaic.version = 14 : i64} {
  func.func @_sc_select(%arg0: i32, %arg1: i32, %arg2: memref<1179648xi32, #tpu.memory_space<hbm>>, %arg3: memref<16xi32, #tpu.memory_space<hbm>>, %arg4: memref<16xi32, #tpu.memory_space<hbm>>, %arg5: memref<73728xi32, #tpu.memory_space<vmem>>, %arg6: memref<16xi32, #tpu.memory_space<vmem>>, %arg7: memref<2048xi32, #tpu.memory_space<vmem>>, %arg8: memref<2048xi32, #tpu.memory_space<vmem>>, %arg9: memref<16x2048xi32, #tpu.memory_space<vmem>>, %arg10: memref<16xi32, #tpu.memory_space<vmem>>, %arg11: memref<16x2048xi32, #tpu.memory_space<vmem_shared>>) attributes {dimension_semantics = [#tpu.dimension_semantics<core_parallel>, #tpu.dimension_semantics<subcore_parallel>], iteration_bounds = array<i64: 1, 16>, scalar_prefetch = 0 : i64, scratch_operands = 7 : i64, tpu.core_type = #tpu.core_type<sc_vector_subcore>, window_params = [{transform_indices = #map}, {transform_indices = #map}, {transform_indices = #map}]} {
    %mul3A = arith.constant 73728 : i32
    %mul3A_0 = arith.muli %arg1, %mul3A : i32
    "tpu.region"() ({
      %run_scoped3A = tpu.sem_alloc : memref<!tpu.dma_semaphore, #tpu.memory_space<semaphore_mem>>
      %dma_start3A = tpu.memref_slice %arg2[%mul3A_0] : memref<1179648xi32, #tpu.memory_space<hbm>> -> memref<73728xi32, #tpu.memory_space<hbm>>
      %dma_start3A_132 = tpu.memref_slice %arg2[%mul3A_0] : memref<1179648xi32, #tpu.memory_space<hbm>> -> memref<73728xi32, #tpu.memory_space<hbm>>
      tpu.enqueue_dma source(%dma_start3A_132 : memref<73728xi32, #tpu.memory_space<hbm>>) target(%arg5 : memref<73728xi32, #tpu.memory_space<vmem>>) target_semaphore(%run_scoped3A : memref<!tpu.dma_semaphore, #tpu.memory_space<semaphore_mem>>)
      %dma_wait3A = tpu.memref_slice %arg2[%mul3A_0] : memref<1179648xi32, #tpu.memory_space<hbm>> -> memref<73728xi32, #tpu.memory_space<hbm>>
      %dma_wait3A_133 = tpu.memref_slice %arg2[%mul3A_0] : memref<1179648xi32, #tpu.memory_space<hbm>> -> memref<73728xi32, #tpu.memory_space<hbm>>
      tpu.wait_dma2 semaphore(%run_scoped3A : memref<!tpu.dma_semaphore, #tpu.memory_space<semaphore_mem>>) src(%dma_wait3A_133 : memref<73728xi32, #tpu.memory_space<hbm>>) dst(%arg5 : memref<73728xi32, #tpu.memory_space<vmem>>)
      tpu.yield
    }) : () -> ()
    "tpu.region"() ({
      %run_scoped3A = tpu.sem_alloc : memref<!tpu.dma_semaphore, #tpu.memory_space<semaphore_mem>>
      tpu.enqueue_dma source(%arg3 : memref<16xi32, #tpu.memory_space<hbm>>) target(%arg6 : memref<16xi32, #tpu.memory_space<vmem>>) target_semaphore(%run_scoped3A : memref<!tpu.dma_semaphore, #tpu.memory_space<semaphore_mem>>)
      tpu.wait_dma2 semaphore(%run_scoped3A : memref<!tpu.dma_semaphore, #tpu.memory_space<semaphore_mem>>) src(%arg3 : memref<16xi32, #tpu.memory_space<hbm>>) dst(%arg6 : memref<16xi32, #tpu.memory_space<vmem>>)
      tpu.yield
    }) : () -> ()
    %get3A = arith.constant 0 : index
    %get3A_1 = tpu.vector_load %arg6[%get3A] {strides = array<i32>} : memref<16xi32, #tpu.memory_space<vmem>>, vector<16xi32>,
    %iota3A = tpu.iota {dimensions = array<i32: 0>} : vector<16xi32>
    %broadcast_in_dim3A = arith.constant 0 : i32
    %broadcast_in_dim3A_2 = vector.broadcast %broadcast_in_dim3A : i32 to vector<16xi32>
    %broadcast_in_dim3A_3 = arith.constant 1 : i32
    %broadcast_in_dim3A_4 = vector.broadcast %broadcast_in_dim3A_3 : i32 to vector<16xi32>
    %scan3A = arith.constant 0 : i32
    %scan3A_5 = arith.constant 0 : i32
    %scan3A_6 = arith.constant 128 : i32
    %scan3A_7 = arith.addi %scan3A_5, %scan3A_6 : i32
    %scan3A_8 = arith.constant 1 : i32
    scf.for %scan3A_132 = %scan3A_5 to %scan3A_7 step %scan3A_8  : i32 {
      %mul3A_133 = arith.constant 16 : i32
      %mul3A_134 = arith.muli %scan3A_132, %mul3A_133 : i32
      %swap3A = arith.index_cast %mul3A_134 : i32 to index
      %swap3A_135 = tpu.vector_load %arg7[%swap3A] {strides = array<i32>} : memref<2048xi32, #tpu.memory_space<vmem>>, vector<16xi32>,
      tpu.vector_store %arg7[%swap3A], %broadcast_in_dim3A_2 {strides = array<i32>} : memref<2048xi32, #tpu.memory_space<vmem>>, vector<16xi32>,
    }
    %scan3A_9 = arith.constant 128 : i32
    %scan3A_10 = arith.constant 0 : i32
    %scan3A_11 = arith.constant 0 : i32
    %scan3A_12 = arith.constant 4608 : i32
    %scan3A_13 = arith.addi %scan3A_11, %scan3A_12 : i32
    %scan3A_14 = arith.constant 1 : i32
    scf.for %scan3A_132 = %scan3A_11 to %scan3A_13 step %scan3A_14  : i32 {
      %mul3A_133 = arith.constant 16 : i32
      %mul3A_134 = arith.muli %scan3A_132, %mul3A_133 : i32
      %get3A_135 = arith.index_cast %mul3A_134 : i32 to index
      %get3A_136 = tpu.vector_load %arg5[%get3A_135] {strides = array<i32>} : memref<73728xi32, #tpu.memory_space<vmem>>, vector<16xi32>,
      %shift_right_arithmetic3A = arith.constant 31 : i32
      %shift_right_arithmetic3A_137 = vector.broadcast %shift_right_arithmetic3A : i32 to vector<16xi32>
      %shift_right_arithmetic3A_138 = arith.shrsi %get3A_136, %shift_right_arithmetic3A_137 : vector<16xi32>
      %eq3A_139 = arith.cmpi eq, %shift_right_arithmetic3A_138, %broadcast_in_dim3A_2 : vector<16xi32>
      %shift_right_arithmetic3A_140 = arith.constant 20 : i32
      %shift_right_arithmetic3A_141 = vector.broadcast %shift_right_arithmetic3A_140 : i32 to vector<16xi32>
      %shift_right_arithmetic3A_142 = arith.shrsi %get3A_136, %shift_right_arithmetic3A_141 : vector<16xi32>
      %and3A = arith.constant 2047 : i32
      %and3A_143 = vector.broadcast %and3A : i32 to vector<16xi32>
      %and3A_144 = arith.andi %shift_right_arithmetic3A_142, %and3A_143 : vector<16xi32>
      tpu.vector_store_idx %arg7[%and3A_144], %broadcast_in_dim3A_4 masked %eq3A_139 {add = true} : memref<2048xi32, #tpu.memory_space<vmem>>[vector<16xi32>], vector<16xi32>, vector<16xi1>
    }
    %scan3A_15 = arith.constant 4608 : i32
    "tpu.region"() ({
      %run_scoped3A = tpu.sem_alloc : memref<!tpu.dma_semaphore, #tpu.memory_space<semaphore_mem>>
      %dma_start3A = arith.constant 0 : i32
      %dma_start3A_132 = tpu.memref_slice %arg11[%arg1, %dma_start3A] : memref<16x2048xi32, #tpu.memory_space<vmem_shared>> -> memref<1x2048xi32, #tpu.memory_space<vmem_shared>>
      %dma_start3A_133 = tpu.memref_squeeze %dma_start3A_132 : memref<1x2048xi32, #tpu.memory_space<vmem_shared>> -> memref<2048xi32, #tpu.memory_space<vmem_shared>>
      %dma_start3A_134 = arith.constant 0 : i32
      %dma_start3A_135 = tpu.memref_slice %arg11[%arg1, %dma_start3A_134] : memref<16x2048xi32, #tpu.memory_space<vmem_shared>> -> memref<1x2048xi32, #tpu.memory_space<vmem_shared>>
      %dma_start3A_136 = tpu.memref_squeeze %dma_start3A_135 : memref<1x2048xi32, #tpu.memory_space<vmem_shared>> -> memref<2048xi32, #tpu.memory_space<vmem_shared>>
      tpu.enqueue_dma source(%arg7 : memref<2048xi32, #tpu.memory_space<vmem>>) target(%dma_start3A_136 : memref<2048xi32, #tpu.memory_space<vmem_shared>>) target_semaphore(%run_scoped3A : memref<!tpu.dma_semaphore, #tpu.memory_space<semaphore_mem>>)
      %dma_wait3A = arith.constant 0 : i32
      %dma_wait3A_137 = tpu.memref_slice %arg11[%arg1, %dma_wait3A] : memref<16x2048xi32, #tpu.memory_space<vmem_shared>> -> memref<1x2048xi32, #tpu.memory_space<vmem_shared>>
      %dma_wait3A_138 = tpu.memref_squeeze %dma_wait3A_137 : memref<1x2048xi32, #tpu.memory_space<vmem_shared>> -> memref<2048xi32, #tpu.memory_space<vmem_shared>>
      %dma_wait3A_139 = arith.constant 0 : i32
      %dma_wait3A_140 = tpu.memref_slice %arg11[%arg1, %dma_wait3A_139] : memref<16x2048xi32, #tpu.memory_space<vmem_shared>> -> memref<1x2048xi32, #tpu.memory_space<vmem_shared>>
      %dma_wait3A_141 = tpu.memref_squeeze %dma_wait3A_140 : memref<1x2048xi32, #tpu.memory_space<vmem_shared>> -> memref<2048xi32, #tpu.memory_space<vmem_shared>>
      tpu.wait_dma2 semaphore(%run_scoped3A : memref<!tpu.dma_semaphore, #tpu.memory_space<semaphore_mem>>) src(%arg7 : memref<2048xi32, #tpu.memory_space<vmem>>) dst(%dma_wait3A_141 : memref<2048xi32, #tpu.memory_space<vmem_shared>>)
      tpu.yield
    }) : () -> ()
    %barrier3A = arith.constant 0 : index
    tpu.barrier barrier_id(%barrier3A)
    "tpu.region"() ({
      %run_scoped3A = tpu.sem_alloc : memref<!tpu.dma_semaphore, #tpu.memory_space<semaphore_mem>>
      tpu.enqueue_dma source(%arg11 : memref<16x2048xi32, #tpu.memory_space<vmem_shared>>) target(%arg9 : memref<16x2048xi32, #tpu.memory_space<vmem>>) target_semaphore(%run_scoped3A : memref<!tpu.dma_semaphore, #tpu.memory_space<semaphore_mem>>)
      tpu.wait_dma2 semaphore(%run_scoped3A : memref<!tpu.dma_semaphore, #tpu.memory_space<semaphore_mem>>) src(%arg11 : memref<16x2048xi32, #tpu.memory_space<vmem_shared>>) dst(%arg9 : memref<16x2048xi32, #tpu.memory_space<vmem>>)
      tpu.yield
    }) : () -> ()
    %barrier3A_16 = arith.constant 0 : index
    tpu.barrier barrier_id(%barrier3A_16)
    %scan3A_17 = arith.constant 0 : i32
    %scan3A_18 = arith.constant 0 : i32
    %scan3A_19 = arith.constant 128 : i32
    %scan3A_20 = arith.addi %scan3A_18, %scan3A_19 : i32
    %scan3A_21 = arith.constant 1 : i32
    scf.for %scan3A_132 = %scan3A_18 to %scan3A_20 step %scan3A_21  : i32 {
      %mul3A_133 = arith.constant 16 : i32
      %mul3A_134 = arith.muli %scan3A_132, %mul3A_133 : i32
      %get3A_135 = arith.constant 0 : i32
      %get3A_136 = arith.index_cast %get3A_135 : i32 to index
      %get3A_137 = arith.index_cast %mul3A_134 : i32 to index
      %get3A_138 = tpu.vector_load %arg9[%get3A_136, %get3A_137] {strides = array<i32>} : memref<16x2048xi32, #tpu.memory_space<vmem>>, vector<16xi32>,
      %add3A_139 = arith.addi %broadcast_in_dim3A_2, %get3A_138 : vector<16xi32>
      %mul3A_140 = arith.constant 16 : i32
      %mul3A_141 = arith.muli %scan3A_132, %mul3A_140 : i32
      %get3A_142 = arith.constant 1 : i32
      %get3A_143 = arith.index_cast %get3A_142 : i32 to index
      %get3A_144 = arith.index_cast %mul3A_141 : i32 to index
      %get3A_145 = tpu.vector_load %arg9[%get3A_143, %get3A_144] {strides = array<i32>} : memref<16x2048xi32, #tpu.memory_space<vmem>>, vector<16xi32>,
      %add3A_146 = arith.addi %add3A_139, %get3A_145 : vector<16xi32>
      %mul3A_147 = arith.constant 16 : i32
      %mul3A_148 = arith.muli %scan3A_132, %mul3A_147 : i32
      %get3A_149 = arith.constant 2 : i32
      %get3A_150 = arith.index_cast %get3A_149 : i32 to index
      %get3A_151 = arith.index_cast %mul3A_148 : i32 to index
      %get3A_152 = tpu.vector_load %arg9[%get3A_150, %get3A_151] {strides = array<i32>} : memref<16x2048xi32, #tpu.memory_space<vmem>>, vector<16xi32>,
      %add3A_153 = arith.addi %add3A_146, %get3A_152 : vector<16xi32>
      %mul3A_154 = arith.constant 16 : i32
      %mul3A_155 = arith.muli %scan3A_132, %mul3A_154 : i32
      %get3A_156 = arith.constant 3 : i32
      %get3A_157 = arith.index_cast %get3A_156 : i32 to index
      %get3A_158 = arith.index_cast %mul3A_155 : i32 to index
      %get3A_159 = tpu.vector_load %arg9[%get3A_157, %get3A_158] {strides = array<i32>} : memref<16x2048xi32, #tpu.memory_space<vmem>>, vector<16xi32>,
      %add3A_160 = arith.addi %add3A_153, %get3A_159 : vector<16xi32>
      %mul3A_161 = arith.constant 16 : i32
      %mul3A_162 = arith.muli %scan3A_132, %mul3A_161 : i32
      %get3A_163 = arith.constant 4 : i32
      %get3A_164 = arith.index_cast %get3A_163 : i32 to index
      %get3A_165 = arith.index_cast %mul3A_162 : i32 to index
      %get3A_166 = tpu.vector_load %arg9[%get3A_164, %get3A_165] {strides = array<i32>} : memref<16x2048xi32, #tpu.memory_space<vmem>>, vector<16xi32>,
      %add3A_167 = arith.addi %add3A_160, %get3A_166 : vector<16xi32>
      %mul3A_168 = arith.constant 16 : i32
      %mul3A_169 = arith.muli %scan3A_132, %mul3A_168 : i32
      %get3A_170 = arith.constant 5 : i32
      %get3A_171 = arith.index_cast %get3A_170 : i32 to index
      %get3A_172 = arith.index_cast %mul3A_169 : i32 to index
      %get3A_173 = tpu.vector_load %arg9[%get3A_171, %get3A_172] {strides = array<i32>} : memref<16x2048xi32, #tpu.memory_space<vmem>>, vector<16xi32>,
      %add3A_174 = arith.addi %add3A_167, %get3A_173 : vector<16xi32>
      %mul3A_175 = arith.constant 16 : i32
      %mul3A_176 = arith.muli %scan3A_132, %mul3A_175 : i32
      %get3A_177 = arith.constant 6 : i32
      %get3A_178 = arith.index_cast %get3A_177 : i32 to index
      %get3A_179 = arith.index_cast %mul3A_176 : i32 to index
      %get3A_180 = tpu.vector_load %arg9[%get3A_178, %get3A_179] {strides = array<i32>} : memref<16x2048xi32, #tpu.memory_space<vmem>>, vector<16xi32>,
      %add3A_181 = arith.addi %add3A_174, %get3A_180 : vector<16xi32>
      %mul3A_182 = arith.constant 16 : i32
      %mul3A_183 = arith.muli %scan3A_132, %mul3A_182 : i32
      %get3A_184 = arith.constant 7 : i32
      %get3A_185 = arith.index_cast %get3A_184 : i32 to index
      %get3A_186 = arith.index_cast %mul3A_183 : i32 to index
      %get3A_187 = tpu.vector_load %arg9[%get3A_185, %get3A_186] {strides = array<i32>} : memref<16x2048xi32, #tpu.memory_space<vmem>>, vector<16xi32>,
      %add3A_188 = arith.addi %add3A_181, %get3A_187 : vector<16xi32>
      %mul3A_189 = arith.constant 16 : i32
      %mul3A_190 = arith.muli %scan3A_132, %mul3A_189 : i32
      %get3A_191 = arith.constant 8 : i32
      %get3A_192 = arith.index_cast %get3A_191 : i32 to index
      %get3A_193 = arith.index_cast %mul3A_190 : i32 to index
      %get3A_194 = tpu.vector_load %arg9[%get3A_192, %get3A_193] {strides = array<i32>} : memref<16x2048xi32, #tpu.memory_space<vmem>>, vector<16xi32>,
      %add3A_195 = arith.addi %add3A_188, %get3A_194 : vector<16xi32>
      %mul3A_196 = arith.constant 16 : i32
      %mul3A_197 = arith.muli %scan3A_132, %mul3A_196 : i32
      %get3A_198 = arith.constant 9 : i32
      %get3A_199 = arith.index_cast %get3A_198 : i32 to index
      %get3A_200 = arith.index_cast %mul3A_197 : i32 to index
      %get3A_201 = tpu.vector_load %arg9[%get3A_199, %get3A_200] {strides = array<i32>} : memref<16x2048xi32, #tpu.memory_space<vmem>>, vector<16xi32>,
      %add3A_202 = arith.addi %add3A_195, %get3A_201 : vector<16xi32>
      %mul3A_203 = arith.constant 16 : i32
      %mul3A_204 = arith.muli %scan3A_132, %mul3A_203 : i32
      %get3A_205 = arith.constant 10 : i32
      %get3A_206 = arith.index_cast %get3A_205 : i32 to index
      %get3A_207 = arith.index_cast %mul3A_204 : i32 to index
      %get3A_208 = tpu.vector_load %arg9[%get3A_206, %get3A_207] {strides = array<i32>} : memref<16x2048xi32, #tpu.memory_space<vmem>>, vector<16xi32>,
      %add3A_209 = arith.addi %add3A_202, %get3A_208 : vector<16xi32>
      %mul3A_210 = arith.constant 16 : i32
      %mul3A_211 = arith.muli %scan3A_132, %mul3A_210 : i32
      %get3A_212 = arith.constant 11 : i32
      %get3A_213 = arith.index_cast %get3A_212 : i32 to index
      %get3A_214 = arith.index_cast %mul3A_211 : i32 to index
      %get3A_215 = tpu.vector_load %arg9[%get3A_213, %get3A_214] {strides = array<i32>} : memref<16x2048xi32, #tpu.memory_space<vmem>>, vector<16xi32>,
      %add3A_216 = arith.addi %add3A_209, %get3A_215 : vector<16xi32>
      %mul3A_217 = arith.constant 16 : i32
      %mul3A_218 = arith.muli %scan3A_132, %mul3A_217 : i32
      %get3A_219 = arith.constant 12 : i32
      %get3A_220 = arith.index_cast %get3A_219 : i32 to index
      %get3A_221 = arith.index_cast %mul3A_218 : i32 to index
      %get3A_222 = tpu.vector_load %arg9[%get3A_220, %get3A_221] {strides = array<i32>} : memref<16x2048xi32, #tpu.memory_space<vmem>>, vector<16xi32>,
      %add3A_223 = arith.addi %add3A_216, %get3A_222 : vector<16xi32>
      %mul3A_224 = arith.constant 16 : i32
      %mul3A_225 = arith.muli %scan3A_132, %mul3A_224 : i32
      %get3A_226 = arith.constant 13 : i32
      %get3A_227 = arith.index_cast %get3A_226 : i32 to index
      %get3A_228 = arith.index_cast %mul3A_225 : i32 to index
      %get3A_229 = tpu.vector_load %arg9[%get3A_227, %get3A_228] {strides = array<i32>} : memref<16x2048xi32, #tpu.memory_space<vmem>>, vector<16xi32>,
      %add3A_230 = arith.addi %add3A_223, %get3A_229 : vector<16xi32>
      %mul3A_231 = arith.constant 16 : i32
      %mul3A_232 = arith.muli %scan3A_132, %mul3A_231 : i32
      %get3A_233 = arith.constant 14 : i32
      %get3A_234 = arith.index_cast %get3A_233 : i32 to index
      %get3A_235 = arith.index_cast %mul3A_232 : i32 to index
      %get3A_236 = tpu.vector_load %arg9[%get3A_234, %get3A_235] {strides = array<i32>} : memref<16x2048xi32, #tpu.memory_space<vmem>>, vector<16xi32>,
      %add3A_237 = arith.addi %add3A_230, %get3A_236 : vector<16xi32>
      %mul3A_238 = arith.constant 16 : i32
      %mul3A_239 = arith.muli %scan3A_132, %mul3A_238 : i32
      %get3A_240 = arith.constant 15 : i32
      %get3A_241 = arith.index_cast %get3A_240 : i32 to index
      %get3A_242 = arith.index_cast %mul3A_239 : i32 to index
      %get3A_243 = tpu.vector_load %arg9[%get3A_241, %get3A_242] {strides = array<i32>} : memref<16x2048xi32, #tpu.memory_space<vmem>>, vector<16xi32>,
      %add3A_244 = arith.addi %add3A_237, %get3A_243 : vector<16xi32>
      %mul3A_245 = arith.constant 16 : i32
      %mul3A_246 = arith.muli %scan3A_132, %mul3A_245 : i32
      %swap3A = arith.index_cast %mul3A_246 : i32 to index
      %swap3A_247 = tpu.vector_load %arg8[%swap3A] {strides = array<i32>} : memref<2048xi32, #tpu.memory_space<vmem>>, vector<16xi32>,
      tpu.vector_store %arg8[%swap3A], %add3A_244 {strides = array<i32>} : memref<2048xi32, #tpu.memory_space<vmem>>, vector<16xi32>,
    }
    %scan3A_22 = arith.constant 128 : i32
    %scan3A_23 = arith.constant 0 : i32
    %scan3A_24 = arith.constant 128 : i32
    %scan3A_25 = arith.addi %scan3A_23, %scan3A_24 : i32
    %scan3A_26 = arith.constant 1 : i32
    %scan3A_27:3 = scf.for %scan3A_132 = %scan3A_23 to %scan3A_25 step %scan3A_26 iter_args(%scan3A_133 = %broadcast_in_dim3A_2, %scan3A_134 = %broadcast_in_dim3A_2, %scan3A_135 = %broadcast_in_dim3A_2) -> (vector<16xi32>, vector<16xi32>, vector<16xi32>)  : i32 {
      %sub3A_136 = arith.constant 127 : i32
      %sub3A_137 = arith.subi %sub3A_136, %scan3A_132 : i32
      %mul3A_138 = arith.constant 16 : i32
      %mul3A_139 = arith.muli %sub3A_137, %mul3A_138 : i32
      %get3A_140 = arith.index_cast %mul3A_139 : i32 to index
      %get3A_141 = tpu.vector_load %arg8[%get3A_140] {strides = array<i32>} : memref<2048xi32, #tpu.memory_space<vmem>>, vector<16xi32>,
      %rev3A = arith.constant 15 : i32
      %rev3A_142 = vector.broadcast %rev3A : i32 to vector<16xi32>
      %rev3A_143 = tpu.iota {dimensions = array<i32: 0>} : vector<16xi32>
      %rev3A_144 = arith.subi %rev3A_142, %rev3A_143 : vector<16xi32>
      %rev3A_145 = tpu.dynamic_gather %get3A_141[%rev3A_144] in [0] : vector<16xi32>, vector<16xi32> -> vector<16xi32>
      %broadcast_in_dim3A_146 = arith.constant true
      %broadcast_in_dim3A_147 = vector.broadcast %broadcast_in_dim3A_146 : i1 to vector<16xi1>
      %masked_cumsum3A = tpu.scan <sum>, %rev3A_145 masked %broadcast_in_dim3A_147 : vector<16xi32>, vector<16xi1> -> vector<16xi32>
      %add3A_148 = arith.addi %scan3A_135, %masked_cumsum3A : vector<16xi32>
      %ge3A = arith.cmpi sge, %add3A_148, %get3A_1 : vector<16xi32>
      %all_reduce_population_count3A = tpu.all_reduce %ge3A {dim = 0 : i64, kind = #tpu.reduction_kind<sum>} : vector<16xi1> -> vector<16xi32>
      %all_reduce_ffs3A = tpu.all_reduce %ge3A {dim = 0 : i64, kind = #tpu.reduction_kind<find_first_set>} : vector<16xi1> -> vector<16xi32>
      %gt3A = arith.constant 0 : i32
      %gt3A_149 = vector.broadcast %gt3A : i32 to vector<16xi32>
      %gt3A_150 = arith.cmpi sgt, %all_reduce_population_count3A, %gt3A_149 : vector<16xi32>
      %mul3A_151 = arith.constant 16 : i32
      %mul3A_152 = arith.muli %mul3A_151, %sub3A_137 : i32
      %add3A_153 = arith.constant 15 : i32
      %add3A_154 = arith.addi %mul3A_152, %add3A_153 : i32
      %sub3A_155 = vector.broadcast %add3A_154 : i32 to vector<16xi32>
      %sub3A_156 = arith.subi %sub3A_155, %all_reduce_ffs3A : vector<16xi32>
      %eq3A_157 = arith.constant 0 : i32
      %eq3A_158 = vector.broadcast %eq3A_157 : i32 to vector<16xi32>
      %eq3A_159 = arith.cmpi eq, %scan3A_133, %eq3A_158 : vector<16xi32>
      %and3A = arith.andi %eq3A_159, %gt3A_150 : vector<16xi1>
      %select_n3A = arith.select %and3A, %sub3A_156, %scan3A_134 : vector<16xi1>, vector<16xi32>
      %select_n3A_160 = arith.select %gt3A_150, %broadcast_in_dim3A_4, %scan3A_133 : vector<16xi1>, vector<16xi32>
      %eq3A_161 = arith.constant 0 : i32
      %eq3A_162 = vector.broadcast %eq3A_161 : i32 to vector<16xi32>
      %eq3A_163 = arith.cmpi eq, %select_n3A_160, %eq3A_162 : vector<16xi32>
      %reduce_sum3A_164 = arith.constant true
      %reduce_sum3A_165 = vector.broadcast %reduce_sum3A_164 : i1 to vector<16xi1>
      %reduce_sum3A_166 = tpu.scan <sum>, %get3A_141 masked %reduce_sum3A_165 : vector<16xi32>, vector<16xi1> -> vector<16xi32>
      %reduce_sum3A_167 = vector.extract %reduce_sum3A_166[15] : i32 from vector<16xi32>
      %add3A_168 = vector.broadcast %reduce_sum3A_167 : i32 to vector<16xi32>
      %add3A_169 = arith.addi %scan3A_135, %add3A_168 : vector<16xi32>
      %select_n3A_170 = arith.select %eq3A_163, %add3A_169, %scan3A_135 : vector<16xi1>, vector<16xi32>
      scf.yield %select_n3A_160, %select_n3A, %select_n3A_170 : vector<16xi32>, vector<16xi32>, vector<16xi32>
    }
    %scan3A_28 = arith.constant 128 : i32
    %scan3A_29 = arith.constant 0 : i32
    %scan3A_30 = arith.constant 128 : i32
    %scan3A_31 = arith.addi %scan3A_29, %scan3A_30 : i32
    %scan3A_32 = arith.constant 1 : i32
    %scan3A_33 = scf.for %scan3A_132 = %scan3A_29 to %scan3A_31 step %scan3A_32 iter_args(%scan3A_133 = %broadcast_in_dim3A_2) -> (vector<16xi32>)  : i32 {
      %mul3A_134 = arith.constant 16 : i32
      %mul3A_135 = arith.muli %mul3A_134, %scan3A_132 : i32
      %add3A_136 = vector.broadcast %mul3A_135 : i32 to vector<16xi32>
      %add3A_137 = arith.addi %iota3A, %add3A_136 : vector<16xi32>
      %mul3A_138 = arith.constant 16 : i32
      %mul3A_139 = arith.muli %scan3A_132, %mul3A_138 : i32
      %get3A_140 = arith.index_cast %mul3A_139 : i32 to index
      %get3A_141 = tpu.vector_load %arg8[%get3A_140] {strides = array<i32>} : memref<2048xi32, #tpu.memory_space<vmem>>, vector<16xi32>,
      %gt3A = arith.cmpi sgt, %add3A_137, %scan3A_27#1 : vector<16xi32>
      %select_n3A = arith.select %gt3A, %get3A_141, %broadcast_in_dim3A_2 : vector<16xi1>, vector<16xi32>
      %add3A_142 = arith.addi %scan3A_133, %select_n3A : vector<16xi32>
      scf.yield %add3A_142 : vector<16xi32>
    }
    %scan3A_34 = arith.constant 128 : i32
    %reduce_sum3A = arith.constant true
    %reduce_sum3A_35 = vector.broadcast %reduce_sum3A : i1 to vector<16xi1>
    %reduce_sum3A_36 = tpu.scan <sum>, %scan3A_33 masked %reduce_sum3A_35 : vector<16xi32>, vector<16xi1> -> vector<16xi32>
    %reduce_sum3A_37 = vector.extract %reduce_sum3A_36[15] : i32 from vector<16xi32>
    %add3A = vector.broadcast %reduce_sum3A_37 : i32 to vector<16xi32>
    %add3A_38 = arith.addi %broadcast_in_dim3A_2, %add3A : vector<16xi32>
    %sub3A = vector.broadcast %reduce_sum3A_37 : i32 to vector<16xi32>
    %sub3A_39 = arith.subi %get3A_1, %sub3A : vector<16xi32>
    %shift_left3A = arith.constant 11 : i32
    %shift_left3A_40 = vector.broadcast %shift_left3A : i32 to vector<16xi32>
    %shift_left3A_41 = arith.shli %broadcast_in_dim3A_2, %shift_left3A_40 : vector<16xi32>
    %or3A = arith.ori %shift_left3A_41, %scan3A_27#1 : vector<16xi32>
    %scan3A_42 = arith.constant 0 : i32
    %scan3A_43 = arith.constant 0 : i32
    %scan3A_44 = arith.constant 128 : i32
    %scan3A_45 = arith.addi %scan3A_43, %scan3A_44 : i32
    %scan3A_46 = arith.constant 1 : i32
    scf.for %scan3A_132 = %scan3A_43 to %scan3A_45 step %scan3A_46  : i32 {
      %mul3A_133 = arith.constant 16 : i32
      %mul3A_134 = arith.muli %scan3A_132, %mul3A_133 : i32
      %swap3A = arith.index_cast %mul3A_134 : i32 to index
      %swap3A_135 = tpu.vector_load %arg7[%swap3A] {strides = array<i32>} : memref<2048xi32, #tpu.memory_space<vmem>>, vector<16xi32>,
      tpu.vector_store %arg7[%swap3A], %broadcast_in_dim3A_2 {strides = array<i32>} : memref<2048xi32, #tpu.memory_space<vmem>>, vector<16xi32>,
    }
    %scan3A_47 = arith.constant 128 : i32
    %scan3A_48 = arith.constant 0 : i32
    %scan3A_49 = arith.constant 0 : i32
    %scan3A_50 = arith.constant 4608 : i32
    %scan3A_51 = arith.addi %scan3A_49, %scan3A_50 : i32
    %scan3A_52 = arith.constant 1 : i32
    scf.for %scan3A_132 = %scan3A_49 to %scan3A_51 step %scan3A_52  : i32 {
      %mul3A_133 = arith.constant 16 : i32
      %mul3A_134 = arith.muli %scan3A_132, %mul3A_133 : i32
      %get3A_135 = arith.index_cast %mul3A_134 : i32 to index
      %get3A_136 = tpu.vector_load %arg5[%get3A_135] {strides = array<i32>} : memref<73728xi32, #tpu.memory_space<vmem>>, vector<16xi32>,
      %shift_right_arithmetic3A = arith.constant 20 : i32
      %shift_right_arithmetic3A_137 = vector.broadcast %shift_right_arithmetic3A : i32 to vector<16xi32>
      %shift_right_arithmetic3A_138 = arith.shrsi %get3A_136, %shift_right_arithmetic3A_137 : vector<16xi32>
      %eq3A_139 = arith.cmpi eq, %shift_right_arithmetic3A_138, %or3A : vector<16xi32>
      %shift_right_arithmetic3A_140 = arith.constant 10 : i32
      %shift_right_arithmetic3A_141 = vector.broadcast %shift_right_arithmetic3A_140 : i32 to vector<16xi32>
      %shift_right_arithmetic3A_142 = arith.shrsi %get3A_136, %shift_right_arithmetic3A_141 : vector<16xi32>
      %and3A = arith.constant 1023 : i32
      %and3A_143 = vector.broadcast %and3A : i32 to vector<16xi32>
      %and3A_144 = arith.andi %shift_right_arithmetic3A_142, %and3A_143 : vector<16xi32>
      tpu.vector_store_idx %arg7[%and3A_144], %broadcast_in_dim3A_4 masked %eq3A_139 {add = true} : memref<2048xi32, #tpu.memory_space<vmem>>[vector<16xi32>], vector<16xi32>, vector<16xi1>
    }
    %scan3A_53 = arith.constant 4608 : i32
    "tpu.region"() ({
      %run_scoped3A = tpu.sem_alloc : memref<!tpu.dma_semaphore, #tpu.memory_space<semaphore_mem>>
      %dma_start3A = arith.constant 0 : i32
      %dma_start3A_132 = tpu.memref_slice %arg11[%arg1, %dma_start3A] : memref<16x2048xi32, #tpu.memory_space<vmem_shared>> -> memref<1x2048xi32, #tpu.memory_space<vmem_shared>>
      %dma_start3A_133 = tpu.memref_squeeze %dma_start3A_132 : memref<1x2048xi32, #tpu.memory_space<vmem_shared>> -> memref<2048xi32, #tpu.memory_space<vmem_shared>>
      %dma_start3A_134 = arith.constant 0 : i32
      %dma_start3A_135 = tpu.memref_slice %arg11[%arg1, %dma_start3A_134] : memref<16x2048xi32, #tpu.memory_space<vmem_shared>> -> memref<1x2048xi32, #tpu.memory_space<vmem_shared>>
      %dma_start3A_136 = tpu.memref_squeeze %dma_start3A_135 : memref<1x2048xi32, #tpu.memory_space<vmem_shared>> -> memref<2048xi32, #tpu.memory_space<vmem_shared>>
      tpu.enqueue_dma source(%arg7 : memref<2048xi32, #tpu.memory_space<vmem>>) target(%dma_start3A_136 : memref<2048xi32, #tpu.memory_space<vmem_shared>>) target_semaphore(%run_scoped3A : memref<!tpu.dma_semaphore, #tpu.memory_space<semaphore_mem>>)
      %dma_wait3A = arith.constant 0 : i32
      %dma_wait3A_137 = tpu.memref_slice %arg11[%arg1, %dma_wait3A] : memref<16x2048xi32, #tpu.memory_space<vmem_shared>> -> memref<1x2048xi32, #tpu.memory_space<vmem_shared>>
      %dma_wait3A_138 = tpu.memref_squeeze %dma_wait3A_137 : memref<1x2048xi32, #tpu.memory_space<vmem_shared>> -> memref<2048xi32, #tpu.memory_space<vmem_shared>>
      %dma_wait3A_139 = arith.constant 0 : i32
      %dma_wait3A_140 = tpu.memref_slice %arg11[%arg1, %dma_wait3A_139] : memref<16x2048xi32, #tpu.memory_space<vmem_shared>> -> memref<1x2048xi32, #tpu.memory_space<vmem_shared>>
      %dma_wait3A_141 = tpu.memref_squeeze %dma_wait3A_140 : memref<1x2048xi32, #tpu.memory_space<vmem_shared>> -> memref<2048xi32, #tpu.memory_space<vmem_shared>>
      tpu.wait_dma2 semaphore(%run_scoped3A : memref<!tpu.dma_semaphore, #tpu.memory_space<semaphore_mem>>) src(%arg7 : memref<2048xi32, #tpu.memory_space<vmem>>) dst(%dma_wait3A_141 : memref<2048xi32, #tpu.memory_space<vmem_shared>>)
      tpu.yield
    }) : () -> ()
    %barrier3A_54 = arith.constant 0 : index
    tpu.barrier barrier_id(%barrier3A_54)
    "tpu.region"() ({
      %run_scoped3A = tpu.sem_alloc : memref<!tpu.dma_semaphore, #tpu.memory_space<semaphore_mem>>
      tpu.enqueue_dma source(%arg11 : memref<16x2048xi32, #tpu.memory_space<vmem_shared>>) target(%arg9 : memref<16x2048xi32, #tpu.memory_space<vmem>>) target_semaphore(%run_scoped3A : memref<!tpu.dma_semaphore, #tpu.memory_space<semaphore_mem>>)
      tpu.wait_dma2 semaphore(%run_scoped3A : memref<!tpu.dma_semaphore, #tpu.memory_space<semaphore_mem>>) src(%arg11 : memref<16x2048xi32, #tpu.memory_space<vmem_shared>>) dst(%arg9 : memref<16x2048xi32, #tpu.memory_space<vmem>>)
      tpu.yield
    }) : () -> ()
    %barrier3A_55 = arith.constant 0 : index
    tpu.barrier barrier_id(%barrier3A_55)
    %scan3A_56 = arith.constant 0 : i32
    %scan3A_57 = arith.constant 0 : i32
    %scan3A_58 = arith.constant 128 : i32
    %scan3A_59 = arith.addi %scan3A_57, %scan3A_58 : i32
    %scan3A_60 = arith.constant 1 : i32
    scf.for %scan3A_132 = %scan3A_57 to %scan3A_59 step %scan3A_60  : i32 {
      %mul3A_133 = arith.constant 16 : i32
      %mul3A_134 = arith.muli %scan3A_132, %mul3A_133 : i32
      %get3A_135 = arith.constant 0 : i32
      %get3A_136 = arith.index_cast %get3A_135 : i32 to index
      %get3A_137 = arith.index_cast %mul3A_134 : i32 to index
      %get3A_138 = tpu.vector_load %arg9[%get3A_136, %get3A_137] {strides = array<i32>} : memref<16x2048xi32, #tpu.memory_space<vmem>>, vector<16xi32>,
      %add3A_139 = arith.addi %broadcast_in_dim3A_2, %get3A_138 : vector<16xi32>
      %mul3A_140 = arith.constant 16 : i32
      %mul3A_141 = arith.muli %scan3A_132, %mul3A_140 : i32
      %get3A_142 = arith.constant 1 : i32
      %get3A_143 = arith.index_cast %get3A_142 : i32 to index
      %get3A_144 = arith.index_cast %mul3A_141 : i32 to index
      %get3A_145 = tpu.vector_load %arg9[%get3A_143, %get3A_144] {strides = array<i32>} : memref<16x2048xi32, #tpu.memory_space<vmem>>, vector<16xi32>,
      %add3A_146 = arith.addi %add3A_139, %get3A_145 : vector<16xi32>
      %mul3A_147 = arith.constant 16 : i32
      %mul3A_148 = arith.muli %scan3A_132, %mul3A_147 : i32
      %get3A_149 = arith.constant 2 : i32
      %get3A_150 = arith.index_cast %get3A_149 : i32 to index
      %get3A_151 = arith.index_cast %mul3A_148 : i32 to index
      %get3A_152 = tpu.vector_load %arg9[%get3A_150, %get3A_151] {strides = array<i32>} : memref<16x2048xi32, #tpu.memory_space<vmem>>, vector<16xi32>,
      %add3A_153 = arith.addi %add3A_146, %get3A_152 : vector<16xi32>
      %mul3A_154 = arith.constant 16 : i32
      %mul3A_155 = arith.muli %scan3A_132, %mul3A_154 : i32
      %get3A_156 = arith.constant 3 : i32
      %get3A_157 = arith.index_cast %get3A_156 : i32 to index
      %get3A_158 = arith.index_cast %mul3A_155 : i32 to index
      %get3A_159 = tpu.vector_load %arg9[%get3A_157, %get3A_158] {strides = array<i32>} : memref<16x2048xi32, #tpu.memory_space<vmem>>, vector<16xi32>,
      %add3A_160 = arith.addi %add3A_153, %get3A_159 : vector<16xi32>
      %mul3A_161 = arith.constant 16 : i32
      %mul3A_162 = arith.muli %scan3A_132, %mul3A_161 : i32
      %get3A_163 = arith.constant 4 : i32
      %get3A_164 = arith.index_cast %get3A_163 : i32 to index
      %get3A_165 = arith.index_cast %mul3A_162 : i32 to index
      %get3A_166 = tpu.vector_load %arg9[%get3A_164, %get3A_165] {strides = array<i32>} : memref<16x2048xi32, #tpu.memory_space<vmem>>, vector<16xi32>,
      %add3A_167 = arith.addi %add3A_160, %get3A_166 : vector<16xi32>
      %mul3A_168 = arith.constant 16 : i32
      %mul3A_169 = arith.muli %scan3A_132, %mul3A_168 : i32
      %get3A_170 = arith.constant 5 : i32
      %get3A_171 = arith.index_cast %get3A_170 : i32 to index
      %get3A_172 = arith.index_cast %mul3A_169 : i32 to index
      %get3A_173 = tpu.vector_load %arg9[%get3A_171, %get3A_172] {strides = array<i32>} : memref<16x2048xi32, #tpu.memory_space<vmem>>, vector<16xi32>,
      %add3A_174 = arith.addi %add3A_167, %get3A_173 : vector<16xi32>
      %mul3A_175 = arith.constant 16 : i32
      %mul3A_176 = arith.muli %scan3A_132, %mul3A_175 : i32
      %get3A_177 = arith.constant 6 : i32
      %get3A_178 = arith.index_cast %get3A_177 : i32 to index
      %get3A_179 = arith.index_cast %mul3A_176 : i32 to index
      %get3A_180 = tpu.vector_load %arg9[%get3A_178, %get3A_179] {strides = array<i32>} : memref<16x2048xi32, #tpu.memory_space<vmem>>, vector<16xi32>,
      %add3A_181 = arith.addi %add3A_174, %get3A_180 : vector<16xi32>
      %mul3A_182 = arith.constant 16 : i32
      %mul3A_183 = arith.muli %scan3A_132, %mul3A_182 : i32
      %get3A_184 = arith.constant 7 : i32
      %get3A_185 = arith.index_cast %get3A_184 : i32 to index
      %get3A_186 = arith.index_cast %mul3A_183 : i32 to index
      %get3A_187 = tpu.vector_load %arg9[%get3A_185, %get3A_186] {strides = array<i32>} : memref<16x2048xi32, #tpu.memory_space<vmem>>, vector<16xi32>,
      %add3A_188 = arith.addi %add3A_181, %get3A_187 : vector<16xi32>
      %mul3A_189 = arith.constant 16 : i32
      %mul3A_190 = arith.muli %scan3A_132, %mul3A_189 : i32
      %get3A_191 = arith.constant 8 : i32
      %get3A_192 = arith.index_cast %get3A_191 : i32 to index
      %get3A_193 = arith.index_cast %mul3A_190 : i32 to index
      %get3A_194 = tpu.vector_load %arg9[%get3A_192, %get3A_193] {strides = array<i32>} : memref<16x2048xi32, #tpu.memory_space<vmem>>, vector<16xi32>,
      %add3A_195 = arith.addi %add3A_188, %get3A_194 : vector<16xi32>
      %mul3A_196 = arith.constant 16 : i32
      %mul3A_197 = arith.muli %scan3A_132, %mul3A_196 : i32
      %get3A_198 = arith.constant 9 : i32
      %get3A_199 = arith.index_cast %get3A_198 : i32 to index
      %get3A_200 = arith.index_cast %mul3A_197 : i32 to index
      %get3A_201 = tpu.vector_load %arg9[%get3A_199, %get3A_200] {strides = array<i32>} : memref<16x2048xi32, #tpu.memory_space<vmem>>, vector<16xi32>,
      %add3A_202 = arith.addi %add3A_195, %get3A_201 : vector<16xi32>
      %mul3A_203 = arith.constant 16 : i32
      %mul3A_204 = arith.muli %scan3A_132, %mul3A_203 : i32
      %get3A_205 = arith.constant 10 : i32
      %get3A_206 = arith.index_cast %get3A_205 : i32 to index
      %get3A_207 = arith.index_cast %mul3A_204 : i32 to index
      %get3A_208 = tpu.vector_load %arg9[%get3A_206, %get3A_207] {strides = array<i32>} : memref<16x2048xi32, #tpu.memory_space<vmem>>, vector<16xi32>,
      %add3A_209 = arith.addi %add3A_202, %get3A_208 : vector<16xi32>
      %mul3A_210 = arith.constant 16 : i32
      %mul3A_211 = arith.muli %scan3A_132, %mul3A_210 : i32
      %get3A_212 = arith.constant 11 : i32
      %get3A_213 = arith.index_cast %get3A_212 : i32 to index
      %get3A_214 = arith.index_cast %mul3A_211 : i32 to index
      %get3A_215 = tpu.vector_load %arg9[%get3A_213, %get3A_214] {strides = array<i32>} : memref<16x2048xi32, #tpu.memory_space<vmem>>, vector<16xi32>,
      %add3A_216 = arith.addi %add3A_209, %get3A_215 : vector<16xi32>
      %mul3A_217 = arith.constant 16 : i32
      %mul3A_218 = arith.muli %scan3A_132, %mul3A_217 : i32
      %get3A_219 = arith.constant 12 : i32
      %get3A_220 = arith.index_cast %get3A_219 : i32 to index
      %get3A_221 = arith.index_cast %mul3A_218 : i32 to index
      %get3A_222 = tpu.vector_load %arg9[%get3A_220, %get3A_221] {strides = array<i32>} : memref<16x2048xi32, #tpu.memory_space<vmem>>, vector<16xi32>,
      %add3A_223 = arith.addi %add3A_216, %get3A_222 : vector<16xi32>
      %mul3A_224 = arith.constant 16 : i32
      %mul3A_225 = arith.muli %scan3A_132, %mul3A_224 : i32
      %get3A_226 = arith.constant 13 : i32
      %get3A_227 = arith.index_cast %get3A_226 : i32 to index
      %get3A_228 = arith.index_cast %mul3A_225 : i32 to index
      %get3A_229 = tpu.vector_load %arg9[%get3A_227, %get3A_228] {strides = array<i32>} : memref<16x2048xi32, #tpu.memory_space<vmem>>, vector<16xi32>,
      %add3A_230 = arith.addi %add3A_223, %get3A_229 : vector<16xi32>
      %mul3A_231 = arith.constant 16 : i32
      %mul3A_232 = arith.muli %scan3A_132, %mul3A_231 : i32
      %get3A_233 = arith.constant 14 : i32
      %get3A_234 = arith.index_cast %get3A_233 : i32 to index
      %get3A_235 = arith.index_cast %mul3A_232 : i32 to index
      %get3A_236 = tpu.vector_load %arg9[%get3A_234, %get3A_235] {strides = array<i32>} : memref<16x2048xi32, #tpu.memory_space<vmem>>, vector<16xi32>,
      %add3A_237 = arith.addi %add3A_230, %get3A_236 : vector<16xi32>
      %mul3A_238 = arith.constant 16 : i32
      %mul3A_239 = arith.muli %scan3A_132, %mul3A_238 : i32
      %get3A_240 = arith.constant 15 : i32
      %get3A_241 = arith.index_cast %get3A_240 : i32 to index
      %get3A_242 = arith.index_cast %mul3A_239 : i32 to index
      %get3A_243 = tpu.vector_load %arg9[%get3A_241, %get3A_242] {strides = array<i32>} : memref<16x2048xi32, #tpu.memory_space<vmem>>, vector<16xi32>,
      %add3A_244 = arith.addi %add3A_237, %get3A_243 : vector<16xi32>
      %mul3A_245 = arith.constant 16 : i32
      %mul3A_246 = arith.muli %scan3A_132, %mul3A_245 : i32
      %swap3A = arith.index_cast %mul3A_246 : i32 to index
      %swap3A_247 = tpu.vector_load %arg8[%swap3A] {strides = array<i32>} : memref<2048xi32, #tpu.memory_space<vmem>>, vector<16xi32>,
      tpu.vector_store %arg8[%swap3A], %add3A_244 {strides = array<i32>} : memref<2048xi32, #tpu.memory_space<vmem>>, vector<16xi32>,
    }
    %scan3A_61 = arith.constant 128 : i32
    %scan3A_62 = arith.constant 0 : i32
    %scan3A_63 = arith.constant 128 : i32
    %scan3A_64 = arith.addi %scan3A_62, %scan3A_63 : i32
    %scan3A_65 = arith.constant 1 : i32
    %scan3A_66:3 = scf.for %scan3A_132 = %scan3A_62 to %scan3A_64 step %scan3A_65 iter_args(%scan3A_133 = %broadcast_in_dim3A_2, %scan3A_134 = %broadcast_in_dim3A_2, %scan3A_135 = %broadcast_in_dim3A_2) -> (vector<16xi32>, vector<16xi32>, vector<16xi32>)  : i32 {
      %sub3A_136 = arith.constant 127 : i32
      %sub3A_137 = arith.subi %sub3A_136, %scan3A_132 : i32
      %mul3A_138 = arith.constant 16 : i32
      %mul3A_139 = arith.muli %sub3A_137, %mul3A_138 : i32
      %get3A_140 = arith.index_cast %mul3A_139 : i32 to index
      %get3A_141 = tpu.vector_load %arg8[%get3A_140] {strides = array<i32>} : memref<2048xi32, #tpu.memory_space<vmem>>, vector<16xi32>,
      %rev3A = arith.constant 15 : i32
      %rev3A_142 = vector.broadcast %rev3A : i32 to vector<16xi32>
      %rev3A_143 = tpu.iota {dimensions = array<i32: 0>} : vector<16xi32>
      %rev3A_144 = arith.subi %rev3A_142, %rev3A_143 : vector<16xi32>
      %rev3A_145 = tpu.dynamic_gather %get3A_141[%rev3A_144] in [0] : vector<16xi32>, vector<16xi32> -> vector<16xi32>
      %broadcast_in_dim3A_146 = arith.constant true
      %broadcast_in_dim3A_147 = vector.broadcast %broadcast_in_dim3A_146 : i1 to vector<16xi1>
      %masked_cumsum3A = tpu.scan <sum>, %rev3A_145 masked %broadcast_in_dim3A_147 : vector<16xi32>, vector<16xi1> -> vector<16xi32>
      %add3A_148 = arith.addi %scan3A_135, %masked_cumsum3A : vector<16xi32>
      %ge3A = arith.cmpi sge, %add3A_148, %sub3A_39 : vector<16xi32>
      %all_reduce_population_count3A = tpu.all_reduce %ge3A {dim = 0 : i64, kind = #tpu.reduction_kind<sum>} : vector<16xi1> -> vector<16xi32>
      %all_reduce_ffs3A = tpu.all_reduce %ge3A {dim = 0 : i64, kind = #tpu.reduction_kind<find_first_set>} : vector<16xi1> -> vector<16xi32>
      %gt3A = arith.constant 0 : i32
      %gt3A_149 = vector.broadcast %gt3A : i32 to vector<16xi32>
      %gt3A_150 = arith.cmpi sgt, %all_reduce_population_count3A, %gt3A_149 : vector<16xi32>
      %mul3A_151 = arith.constant 16 : i32
      %mul3A_152 = arith.muli %mul3A_151, %sub3A_137 : i32
      %add3A_153 = arith.constant 15 : i32
      %add3A_154 = arith.addi %mul3A_152, %add3A_153 : i32
      %sub3A_155 = vector.broadcast %add3A_154 : i32 to vector<16xi32>
      %sub3A_156 = arith.subi %sub3A_155, %all_reduce_ffs3A : vector<16xi32>
      %eq3A_157 = arith.constant 0 : i32
      %eq3A_158 = vector.broadcast %eq3A_157 : i32 to vector<16xi32>
      %eq3A_159 = arith.cmpi eq, %scan3A_133, %eq3A_158 : vector<16xi32>
      %and3A = arith.andi %eq3A_159, %gt3A_150 : vector<16xi1>
      %select_n3A = arith.select %and3A, %sub3A_156, %scan3A_134 : vector<16xi1>, vector<16xi32>
      %select_n3A_160 = arith.select %gt3A_150, %broadcast_in_dim3A_4, %scan3A_133 : vector<16xi1>, vector<16xi32>
      %eq3A_161 = arith.constant 0 : i32
      %eq3A_162 = vector.broadcast %eq3A_161 : i32 to vector<16xi32>
      %eq3A_163 = arith.cmpi eq, %select_n3A_160, %eq3A_162 : vector<16xi32>
      %reduce_sum3A_164 = arith.constant true
      %reduce_sum3A_165 = vector.broadcast %reduce_sum3A_164 : i1 to vector<16xi1>
      %reduce_sum3A_166 = tpu.scan <sum>, %get3A_141 masked %reduce_sum3A_165 : vector<16xi32>, vector<16xi1> -> vector<16xi32>
      %reduce_sum3A_167 = vector.extract %reduce_sum3A_166[15] : i32 from vector<16xi32>
      %add3A_168 = vector.broadcast %reduce_sum3A_167 : i32 to vector<16xi32>
      %add3A_169 = arith.addi %scan3A_135, %add3A_168 : vector<16xi32>
      %select_n3A_170 = arith.select %eq3A_163, %add3A_169, %scan3A_135 : vector<16xi1>, vector<16xi32>
      scf.yield %select_n3A_160, %select_n3A, %select_n3A_170 : vector<16xi32>, vector<16xi32>, vector<16xi32>
    }
    %scan3A_67 = arith.constant 128 : i32
    %scan3A_68 = arith.constant 0 : i32
    %scan3A_69 = arith.constant 128 : i32
    %scan3A_70 = arith.addi %scan3A_68, %scan3A_69 : i32
    %scan3A_71 = arith.constant 1 : i32
    %scan3A_72 = scf.for %scan3A_132 = %scan3A_68 to %scan3A_70 step %scan3A_71 iter_args(%scan3A_133 = %broadcast_in_dim3A_2) -> (vector<16xi32>)  : i32 {
      %mul3A_134 = arith.constant 16 : i32
      %mul3A_135 = arith.muli %mul3A_134, %scan3A_132 : i32
      %add3A_136 = vector.broadcast %mul3A_135 : i32 to vector<16xi32>
      %add3A_137 = arith.addi %iota3A, %add3A_136 : vector<16xi32>
      %mul3A_138 = arith.constant 16 : i32
      %mul3A_139 = arith.muli %scan3A_132, %mul3A_138 : i32
      %get3A_140 = arith.index_cast %mul3A_139 : i32 to index
      %get3A_141 = tpu.vector_load %arg8[%get3A_140] {strides = array<i32>} : memref<2048xi32, #tpu.memory_space<vmem>>, vector<16xi32>,
      %gt3A = arith.cmpi sgt, %add3A_137, %scan3A_66#1 : vector<16xi32>
      %select_n3A = arith.select %gt3A, %get3A_141, %broadcast_in_dim3A_2 : vector<16xi1>, vector<16xi32>
      %add3A_142 = arith.addi %scan3A_133, %select_n3A : vector<16xi32>
      scf.yield %add3A_142 : vector<16xi32>
    }
    %scan3A_73 = arith.constant 128 : i32
    %reduce_sum3A_74 = arith.constant true
    %reduce_sum3A_75 = vector.broadcast %reduce_sum3A_74 : i1 to vector<16xi1>
    %reduce_sum3A_76 = tpu.scan <sum>, %scan3A_72 masked %reduce_sum3A_75 : vector<16xi32>, vector<16xi1> -> vector<16xi32>
    %reduce_sum3A_77 = vector.extract %reduce_sum3A_76[15] : i32 from vector<16xi32>
    %add3A_78 = vector.broadcast %reduce_sum3A_77 : i32 to vector<16xi32>
    %add3A_79 = arith.addi %add3A_38, %add3A_78 : vector<16xi32>
    %sub3A_80 = vector.broadcast %reduce_sum3A_77 : i32 to vector<16xi32>
    %sub3A_81 = arith.subi %sub3A_39, %sub3A_80 : vector<16xi32>
    %shift_left3A_82 = arith.constant 10 : i32
    %shift_left3A_83 = vector.broadcast %shift_left3A_82 : i32 to vector<16xi32>
    %shift_left3A_84 = arith.shli %or3A, %shift_left3A_83 : vector<16xi32>
    %or3A_85 = arith.ori %shift_left3A_84, %scan3A_66#1 : vector<16xi32>
    %scan3A_86 = arith.constant 0 : i32
    %scan3A_87 = arith.constant 0 : i32
    %scan3A_88 = arith.constant 128 : i32
    %scan3A_89 = arith.addi %scan3A_87, %scan3A_88 : i32
    %scan3A_90 = arith.constant 1 : i32
    scf.for %scan3A_132 = %scan3A_87 to %scan3A_89 step %scan3A_90  : i32 {
      %mul3A_133 = arith.constant 16 : i32
      %mul3A_134 = arith.muli %scan3A_132, %mul3A_133 : i32
      %swap3A = arith.index_cast %mul3A_134 : i32 to index
      %swap3A_135 = tpu.vector_load %arg7[%swap3A] {strides = array<i32>} : memref<2048xi32, #tpu.memory_space<vmem>>, vector<16xi32>,
      tpu.vector_store %arg7[%swap3A], %broadcast_in_dim3A_2 {strides = array<i32>} : memref<2048xi32, #tpu.memory_space<vmem>>, vector<16xi32>,
    }
    %scan3A_91 = arith.constant 128 : i32
    %scan3A_92 = arith.constant 0 : i32
    %scan3A_93 = arith.constant 0 : i32
    %scan3A_94 = arith.constant 4608 : i32
    %scan3A_95 = arith.addi %scan3A_93, %scan3A_94 : i32
    %scan3A_96 = arith.constant 1 : i32
    scf.for %scan3A_132 = %scan3A_93 to %scan3A_95 step %scan3A_96  : i32 {
      %mul3A_133 = arith.constant 16 : i32
      %mul3A_134 = arith.muli %scan3A_132, %mul3A_133 : i32
      %get3A_135 = arith.index_cast %mul3A_134 : i32 to index
      %get3A_136 = tpu.vector_load %arg5[%get3A_135] {strides = array<i32>} : memref<73728xi32, #tpu.memory_space<vmem>>, vector<16xi32>,
      %shift_right_arithmetic3A = arith.constant 10 : i32
      %shift_right_arithmetic3A_137 = vector.broadcast %shift_right_arithmetic3A : i32 to vector<16xi32>
      %shift_right_arithmetic3A_138 = arith.shrsi %get3A_136, %shift_right_arithmetic3A_137 : vector<16xi32>
      %eq3A_139 = arith.cmpi eq, %shift_right_arithmetic3A_138, %or3A_85 : vector<16xi32>
      %shift_right_arithmetic3A_140 = arith.constant 0 : i32
      %shift_right_arithmetic3A_141 = vector.broadcast %shift_right_arithmetic3A_140 : i32 to vector<16xi32>
      %shift_right_arithmetic3A_142 = arith.shrsi %get3A_136, %shift_right_arithmetic3A_141 : vector<16xi32>
      %and3A = arith.constant 1023 : i32
      %and3A_143 = vector.broadcast %and3A : i32 to vector<16xi32>
      %and3A_144 = arith.andi %shift_right_arithmetic3A_142, %and3A_143 : vector<16xi32>
      tpu.vector_store_idx %arg7[%and3A_144], %broadcast_in_dim3A_4 masked %eq3A_139 {add = true} : memref<2048xi32, #tpu.memory_space<vmem>>[vector<16xi32>], vector<16xi32>, vector<16xi1>
    }
    %scan3A_97 = arith.constant 4608 : i32
    "tpu.region"() ({
      %run_scoped3A = tpu.sem_alloc : memref<!tpu.dma_semaphore, #tpu.memory_space<semaphore_mem>>
      %dma_start3A = arith.constant 0 : i32
      %dma_start3A_132 = tpu.memref_slice %arg11[%arg1, %dma_start3A] : memref<16x2048xi32, #tpu.memory_space<vmem_shared>> -> memref<1x2048xi32, #tpu.memory_space<vmem_shared>>
      %dma_start3A_133 = tpu.memref_squeeze %dma_start3A_132 : memref<1x2048xi32, #tpu.memory_space<vmem_shared>> -> memref<2048xi32, #tpu.memory_space<vmem_shared>>
      %dma_start3A_134 = arith.constant 0 : i32
      %dma_start3A_135 = tpu.memref_slice %arg11[%arg1, %dma_start3A_134] : memref<16x2048xi32, #tpu.memory_space<vmem_shared>> -> memref<1x2048xi32, #tpu.memory_space<vmem_shared>>
      %dma_start3A_136 = tpu.memref_squeeze %dma_start3A_135 : memref<1x2048xi32, #tpu.memory_space<vmem_shared>> -> memref<2048xi32, #tpu.memory_space<vmem_shared>>
      tpu.enqueue_dma source(%arg7 : memref<2048xi32, #tpu.memory_space<vmem>>) target(%dma_start3A_136 : memref<2048xi32, #tpu.memory_space<vmem_shared>>) target_semaphore(%run_scoped3A : memref<!tpu.dma_semaphore, #tpu.memory_space<semaphore_mem>>)
      %dma_wait3A = arith.constant 0 : i32
      %dma_wait3A_137 = tpu.memref_slice %arg11[%arg1, %dma_wait3A] : memref<16x2048xi32, #tpu.memory_space<vmem_shared>> -> memref<1x2048xi32, #tpu.memory_space<vmem_shared>>
      %dma_wait3A_138 = tpu.memref_squeeze %dma_wait3A_137 : memref<1x2048xi32, #tpu.memory_space<vmem_shared>> -> memref<2048xi32, #tpu.memory_space<vmem_shared>>
      %dma_wait3A_139 = arith.constant 0 : i32
      %dma_wait3A_140 = tpu.memref_slice %arg11[%arg1, %dma_wait3A_139] : memref<16x2048xi32, #tpu.memory_space<vmem_shared>> -> memref<1x2048xi32, #tpu.memory_space<vmem_shared>>
      %dma_wait3A_141 = tpu.memref_squeeze %dma_wait3A_140 : memref<1x2048xi32, #tpu.memory_space<vmem_shared>> -> memref<2048xi32, #tpu.memory_space<vmem_shared>>
      tpu.wait_dma2 semaphore(%run_scoped3A : memref<!tpu.dma_semaphore, #tpu.memory_space<semaphore_mem>>) src(%arg7 : memref<2048xi32, #tpu.memory_space<vmem>>) dst(%dma_wait3A_141 : memref<2048xi32, #tpu.memory_space<vmem_shared>>)
      tpu.yield
    }) : () -> ()
    %barrier3A_98 = arith.constant 0 : index
    tpu.barrier barrier_id(%barrier3A_98)
    "tpu.region"() ({
      %run_scoped3A = tpu.sem_alloc : memref<!tpu.dma_semaphore, #tpu.memory_space<semaphore_mem>>
      tpu.enqueue_dma source(%arg11 : memref<16x2048xi32, #tpu.memory_space<vmem_shared>>) target(%arg9 : memref<16x2048xi32, #tpu.memory_space<vmem>>) target_semaphore(%run_scoped3A : memref<!tpu.dma_semaphore, #tpu.memory_space<semaphore_mem>>)
      tpu.wait_dma2 semaphore(%run_scoped3A : memref<!tpu.dma_semaphore, #tpu.memory_space<semaphore_mem>>) src(%arg11 : memref<16x2048xi32, #tpu.memory_space<vmem_shared>>) dst(%arg9 : memref<16x2048xi32, #tpu.memory_space<vmem>>)
      tpu.yield
    }) : () -> ()
    %barrier3A_99 = arith.constant 0 : index
    tpu.barrier barrier_id(%barrier3A_99)
    %scan3A_100 = arith.constant 0 : i32
    %scan3A_101 = arith.constant 0 : i32
    %scan3A_102 = arith.constant 128 : i32
    %scan3A_103 = arith.addi %scan3A_101, %scan3A_102 : i32
    %scan3A_104 = arith.constant 1 : i32
    scf.for %scan3A_132 = %scan3A_101 to %scan3A_103 step %scan3A_104  : i32 {
      %mul3A_133 = arith.constant 16 : i32
      %mul3A_134 = arith.muli %scan3A_132, %mul3A_133 : i32
      %get3A_135 = arith.constant 0 : i32
      %get3A_136 = arith.index_cast %get3A_135 : i32 to index
      %get3A_137 = arith.index_cast %mul3A_134 : i32 to index
      %get3A_138 = tpu.vector_load %arg9[%get3A_136, %get3A_137] {strides = array<i32>} : memref<16x2048xi32, #tpu.memory_space<vmem>>, vector<16xi32>,
      %add3A_139 = arith.addi %broadcast_in_dim3A_2, %get3A_138 : vector<16xi32>
      %mul3A_140 = arith.constant 16 : i32
      %mul3A_141 = arith.muli %scan3A_132, %mul3A_140 : i32
      %get3A_142 = arith.constant 1 : i32
      %get3A_143 = arith.index_cast %get3A_142 : i32 to index
      %get3A_144 = arith.index_cast %mul3A_141 : i32 to index
      %get3A_145 = tpu.vector_load %arg9[%get3A_143, %get3A_144] {strides = array<i32>} : memref<16x2048xi32, #tpu.memory_space<vmem>>, vector<16xi32>,
      %add3A_146 = arith.addi %add3A_139, %get3A_145 : vector<16xi32>
      %mul3A_147 = arith.constant 16 : i32
      %mul3A_148 = arith.muli %scan3A_132, %mul3A_147 : i32
      %get3A_149 = arith.constant 2 : i32
      %get3A_150 = arith.index_cast %get3A_149 : i32 to index
      %get3A_151 = arith.index_cast %mul3A_148 : i32 to index
      %get3A_152 = tpu.vector_load %arg9[%get3A_150, %get3A_151] {strides = array<i32>} : memref<16x2048xi32, #tpu.memory_space<vmem>>, vector<16xi32>,
      %add3A_153 = arith.addi %add3A_146, %get3A_152 : vector<16xi32>
      %mul3A_154 = arith.constant 16 : i32
      %mul3A_155 = arith.muli %scan3A_132, %mul3A_154 : i32
      %get3A_156 = arith.constant 3 : i32
      %get3A_157 = arith.index_cast %get3A_156 : i32 to index
      %get3A_158 = arith.index_cast %mul3A_155 : i32 to index
      %get3A_159 = tpu.vector_load %arg9[%get3A_157, %get3A_158] {strides = array<i32>} : memref<16x2048xi32, #tpu.memory_space<vmem>>, vector<16xi32>,
      %add3A_160 = arith.addi %add3A_153, %get3A_159 : vector<16xi32>
      %mul3A_161 = arith.constant 16 : i32
      %mul3A_162 = arith.muli %scan3A_132, %mul3A_161 : i32
      %get3A_163 = arith.constant 4 : i32
      %get3A_164 = arith.index_cast %get3A_163 : i32 to index
      %get3A_165 = arith.index_cast %mul3A_162 : i32 to index
      %get3A_166 = tpu.vector_load %arg9[%get3A_164, %get3A_165] {strides = array<i32>} : memref<16x2048xi32, #tpu.memory_space<vmem>>, vector<16xi32>,
      %add3A_167 = arith.addi %add3A_160, %get3A_166 : vector<16xi32>
      %mul3A_168 = arith.constant 16 : i32
      %mul3A_169 = arith.muli %scan3A_132, %mul3A_168 : i32
      %get3A_170 = arith.constant 5 : i32
      %get3A_171 = arith.index_cast %get3A_170 : i32 to index
      %get3A_172 = arith.index_cast %mul3A_169 : i32 to index
      %get3A_173 = tpu.vector_load %arg9[%get3A_171, %get3A_172] {strides = array<i32>} : memref<16x2048xi32, #tpu.memory_space<vmem>>, vector<16xi32>,
      %add3A_174 = arith.addi %add3A_167, %get3A_173 : vector<16xi32>
      %mul3A_175 = arith.constant 16 : i32
      %mul3A_176 = arith.muli %scan3A_132, %mul3A_175 : i32
      %get3A_177 = arith.constant 6 : i32
      %get3A_178 = arith.index_cast %get3A_177 : i32 to index
      %get3A_179 = arith.index_cast %mul3A_176 : i32 to index
      %get3A_180 = tpu.vector_load %arg9[%get3A_178, %get3A_179] {strides = array<i32>} : memref<16x2048xi32, #tpu.memory_space<vmem>>, vector<16xi32>,
      %add3A_181 = arith.addi %add3A_174, %get3A_180 : vector<16xi32>
      %mul3A_182 = arith.constant 16 : i32
      %mul3A_183 = arith.muli %scan3A_132, %mul3A_182 : i32
      %get3A_184 = arith.constant 7 : i32
      %get3A_185 = arith.index_cast %get3A_184 : i32 to index
      %get3A_186 = arith.index_cast %mul3A_183 : i32 to index
      %get3A_187 = tpu.vector_load %arg9[%get3A_185, %get3A_186] {strides = array<i32>} : memref<16x2048xi32, #tpu.memory_space<vmem>>, vector<16xi32>,
      %add3A_188 = arith.addi %add3A_181, %get3A_187 : vector<16xi32>
      %mul3A_189 = arith.constant 16 : i32
      %mul3A_190 = arith.muli %scan3A_132, %mul3A_189 : i32
      %get3A_191 = arith.constant 8 : i32
      %get3A_192 = arith.index_cast %get3A_191 : i32 to index
      %get3A_193 = arith.index_cast %mul3A_190 : i32 to index
      %get3A_194 = tpu.vector_load %arg9[%get3A_192, %get3A_193] {strides = array<i32>} : memref<16x2048xi32, #tpu.memory_space<vmem>>, vector<16xi32>,
      %add3A_195 = arith.addi %add3A_188, %get3A_194 : vector<16xi32>
      %mul3A_196 = arith.constant 16 : i32
      %mul3A_197 = arith.muli %scan3A_132, %mul3A_196 : i32
      %get3A_198 = arith.constant 9 : i32
      %get3A_199 = arith.index_cast %get3A_198 : i32 to index
      %get3A_200 = arith.index_cast %mul3A_197 : i32 to index
      %get3A_201 = tpu.vector_load %arg9[%get3A_199, %get3A_200] {strides = array<i32>} : memref<16x2048xi32, #tpu.memory_space<vmem>>, vector<16xi32>,
      %add3A_202 = arith.addi %add3A_195, %get3A_201 : vector<16xi32>
      %mul3A_203 = arith.constant 16 : i32
      %mul3A_204 = arith.muli %scan3A_132, %mul3A_203 : i32
      %get3A_205 = arith.constant 10 : i32
      %get3A_206 = arith.index_cast %get3A_205 : i32 to index
      %get3A_207 = arith.index_cast %mul3A_204 : i32 to index
      %get3A_208 = tpu.vector_load %arg9[%get3A_206, %get3A_207] {strides = array<i32>} : memref<16x2048xi32, #tpu.memory_space<vmem>>, vector<16xi32>,
      %add3A_209 = arith.addi %add3A_202, %get3A_208 : vector<16xi32>
      %mul3A_210 = arith.constant 16 : i32
      %mul3A_211 = arith.muli %scan3A_132, %mul3A_210 : i32
      %get3A_212 = arith.constant 11 : i32
      %get3A_213 = arith.index_cast %get3A_212 : i32 to index
      %get3A_214 = arith.index_cast %mul3A_211 : i32 to index
      %get3A_215 = tpu.vector_load %arg9[%get3A_213, %get3A_214] {strides = array<i32>} : memref<16x2048xi32, #tpu.memory_space<vmem>>, vector<16xi32>,
      %add3A_216 = arith.addi %add3A_209, %get3A_215 : vector<16xi32>
      %mul3A_217 = arith.constant 16 : i32
      %mul3A_218 = arith.muli %scan3A_132, %mul3A_217 : i32
      %get3A_219 = arith.constant 12 : i32
      %get3A_220 = arith.index_cast %get3A_219 : i32 to index
      %get3A_221 = arith.index_cast %mul3A_218 : i32 to index
      %get3A_222 = tpu.vector_load %arg9[%get3A_220, %get3A_221] {strides = array<i32>} : memref<16x2048xi32, #tpu.memory_space<vmem>>, vector<16xi32>,
      %add3A_223 = arith.addi %add3A_216, %get3A_222 : vector<16xi32>
      %mul3A_224 = arith.constant 16 : i32
      %mul3A_225 = arith.muli %scan3A_132, %mul3A_224 : i32
      %get3A_226 = arith.constant 13 : i32
      %get3A_227 = arith.index_cast %get3A_226 : i32 to index
      %get3A_228 = arith.index_cast %mul3A_225 : i32 to index
      %get3A_229 = tpu.vector_load %arg9[%get3A_227, %get3A_228] {strides = array<i32>} : memref<16x2048xi32, #tpu.memory_space<vmem>>, vector<16xi32>,
      %add3A_230 = arith.addi %add3A_223, %get3A_229 : vector<16xi32>
      %mul3A_231 = arith.constant 16 : i32
      %mul3A_232 = arith.muli %scan3A_132, %mul3A_231 : i32
      %get3A_233 = arith.constant 14 : i32
      %get3A_234 = arith.index_cast %get3A_233 : i32 to index
      %get3A_235 = arith.index_cast %mul3A_232 : i32 to index
      %get3A_236 = tpu.vector_load %arg9[%get3A_234, %get3A_235] {strides = array<i32>} : memref<16x2048xi32, #tpu.memory_space<vmem>>, vector<16xi32>,
      %add3A_237 = arith.addi %add3A_230, %get3A_236 : vector<16xi32>
      %mul3A_238 = arith.constant 16 : i32
      %mul3A_239 = arith.muli %scan3A_132, %mul3A_238 : i32
      %get3A_240 = arith.constant 15 : i32
      %get3A_241 = arith.index_cast %get3A_240 : i32 to index
      %get3A_242 = arith.index_cast %mul3A_239 : i32 to index
      %get3A_243 = tpu.vector_load %arg9[%get3A_241, %get3A_242] {strides = array<i32>} : memref<16x2048xi32, #tpu.memory_space<vmem>>, vector<16xi32>,
      %add3A_244 = arith.addi %add3A_237, %get3A_243 : vector<16xi32>
      %mul3A_245 = arith.constant 16 : i32
      %mul3A_246 = arith.muli %scan3A_132, %mul3A_245 : i32
      %swap3A = arith.index_cast %mul3A_246 : i32 to index
      %swap3A_247 = tpu.vector_load %arg8[%swap3A] {strides = array<i32>} : memref<2048xi32, #tpu.memory_space<vmem>>, vector<16xi32>,
      tpu.vector_store %arg8[%swap3A], %add3A_244 {strides = array<i32>} : memref<2048xi32, #tpu.memory_space<vmem>>, vector<16xi32>,
    }
    %scan3A_105 = arith.constant 128 : i32
    %scan3A_106 = arith.constant 0 : i32
    %scan3A_107 = arith.constant 128 : i32
    %scan3A_108 = arith.addi %scan3A_106, %scan3A_107 : i32
    %scan3A_109 = arith.constant 1 : i32
    %scan3A_110:3 = scf.for %scan3A_132 = %scan3A_106 to %scan3A_108 step %scan3A_109 iter_args(%scan3A_133 = %broadcast_in_dim3A_2, %scan3A_134 = %broadcast_in_dim3A_2, %scan3A_135 = %broadcast_in_dim3A_2) -> (vector<16xi32>, vector<16xi32>, vector<16xi32>)  : i32 {
      %sub3A_136 = arith.constant 127 : i32
      %sub3A_137 = arith.subi %sub3A_136, %scan3A_132 : i32
      %mul3A_138 = arith.constant 16 : i32
      %mul3A_139 = arith.muli %sub3A_137, %mul3A_138 : i32
      %get3A_140 = arith.index_cast %mul3A_139 : i32 to index
      %get3A_141 = tpu.vector_load %arg8[%get3A_140] {strides = array<i32>} : memref<2048xi32, #tpu.memory_space<vmem>>, vector<16xi32>,
      %rev3A = arith.constant 15 : i32
      %rev3A_142 = vector.broadcast %rev3A : i32 to vector<16xi32>
      %rev3A_143 = tpu.iota {dimensions = array<i32: 0>} : vector<16xi32>
      %rev3A_144 = arith.subi %rev3A_142, %rev3A_143 : vector<16xi32>
      %rev3A_145 = tpu.dynamic_gather %get3A_141[%rev3A_144] in [0] : vector<16xi32>, vector<16xi32> -> vector<16xi32>
      %broadcast_in_dim3A_146 = arith.constant true
      %broadcast_in_dim3A_147 = vector.broadcast %broadcast_in_dim3A_146 : i1 to vector<16xi1>
      %masked_cumsum3A = tpu.scan <sum>, %rev3A_145 masked %broadcast_in_dim3A_147 : vector<16xi32>, vector<16xi1> -> vector<16xi32>
      %add3A_148 = arith.addi %scan3A_135, %masked_cumsum3A : vector<16xi32>
      %ge3A = arith.cmpi sge, %add3A_148, %sub3A_81 : vector<16xi32>
      %all_reduce_population_count3A = tpu.all_reduce %ge3A {dim = 0 : i64, kind = #tpu.reduction_kind<sum>} : vector<16xi1> -> vector<16xi32>
      %all_reduce_ffs3A = tpu.all_reduce %ge3A {dim = 0 : i64, kind = #tpu.reduction_kind<find_first_set>} : vector<16xi1> -> vector<16xi32>
      %gt3A = arith.constant 0 : i32
      %gt3A_149 = vector.broadcast %gt3A : i32 to vector<16xi32>
      %gt3A_150 = arith.cmpi sgt, %all_reduce_population_count3A, %gt3A_149 : vector<16xi32>
      %mul3A_151 = arith.constant 16 : i32
      %mul3A_152 = arith.muli %mul3A_151, %sub3A_137 : i32
      %add3A_153 = arith.constant 15 : i32
      %add3A_154 = arith.addi %mul3A_152, %add3A_153 : i32
      %sub3A_155 = vector.broadcast %add3A_154 : i32 to vector<16xi32>
      %sub3A_156 = arith.subi %sub3A_155, %all_reduce_ffs3A : vector<16xi32>
      %eq3A_157 = arith.constant 0 : i32
      %eq3A_158 = vector.broadcast %eq3A_157 : i32 to vector<16xi32>
      %eq3A_159 = arith.cmpi eq, %scan3A_133, %eq3A_158 : vector<16xi32>
      %and3A = arith.andi %eq3A_159, %gt3A_150 : vector<16xi1>
      %select_n3A = arith.select %and3A, %sub3A_156, %scan3A_134 : vector<16xi1>, vector<16xi32>
      %select_n3A_160 = arith.select %gt3A_150, %broadcast_in_dim3A_4, %scan3A_133 : vector<16xi1>, vector<16xi32>
      %eq3A_161 = arith.constant 0 : i32
      %eq3A_162 = vector.broadcast %eq3A_161 : i32 to vector<16xi32>
      %eq3A_163 = arith.cmpi eq, %select_n3A_160, %eq3A_162 : vector<16xi32>
      %reduce_sum3A_164 = arith.constant true
      %reduce_sum3A_165 = vector.broadcast %reduce_sum3A_164 : i1 to vector<16xi1>
      %reduce_sum3A_166 = tpu.scan <sum>, %get3A_141 masked %reduce_sum3A_165 : vector<16xi32>, vector<16xi1> -> vector<16xi32>
      %reduce_sum3A_167 = vector.extract %reduce_sum3A_166[15] : i32 from vector<16xi32>
      %add3A_168 = vector.broadcast %reduce_sum3A_167 : i32 to vector<16xi32>
      %add3A_169 = arith.addi %scan3A_135, %add3A_168 : vector<16xi32>
      %select_n3A_170 = arith.select %eq3A_163, %add3A_169, %scan3A_135 : vector<16xi1>, vector<16xi32>
      scf.yield %select_n3A_160, %select_n3A, %select_n3A_170 : vector<16xi32>, vector<16xi32>, vector<16xi32>
    }
    %scan3A_111 = arith.constant 128 : i32
    %scan3A_112 = arith.constant 0 : i32
    %scan3A_113 = arith.constant 128 : i32
    %scan3A_114 = arith.addi %scan3A_112, %scan3A_113 : i32
    %scan3A_115 = arith.constant 1 : i32
    %scan3A_116 = scf.for %scan3A_132 = %scan3A_112 to %scan3A_114 step %scan3A_115 iter_args(%scan3A_133 = %broadcast_in_dim3A_2) -> (vector<16xi32>)  : i32 {
      %mul3A_134 = arith.constant 16 : i32
      %mul3A_135 = arith.muli %mul3A_134, %scan3A_132 : i32
      %add3A_136 = vector.broadcast %mul3A_135 : i32 to vector<16xi32>
      %add3A_137 = arith.addi %iota3A, %add3A_136 : vector<16xi32>
      %mul3A_138 = arith.constant 16 : i32
      %mul3A_139 = arith.muli %scan3A_132, %mul3A_138 : i32
      %get3A_140 = arith.index_cast %mul3A_139 : i32 to index
      %get3A_141 = tpu.vector_load %arg8[%get3A_140] {strides = array<i32>} : memref<2048xi32, #tpu.memory_space<vmem>>, vector<16xi32>,
      %gt3A = arith.cmpi sgt, %add3A_137, %scan3A_110#1 : vector<16xi32>
      %select_n3A = arith.select %gt3A, %get3A_141, %broadcast_in_dim3A_2 : vector<16xi1>, vector<16xi32>
      %add3A_142 = arith.addi %scan3A_133, %select_n3A : vector<16xi32>
      scf.yield %add3A_142 : vector<16xi32>
    }
    %scan3A_117 = arith.constant 128 : i32
    %reduce_sum3A_118 = arith.constant true
    %reduce_sum3A_119 = vector.broadcast %reduce_sum3A_118 : i1 to vector<16xi1>
    %reduce_sum3A_120 = tpu.scan <sum>, %scan3A_116 masked %reduce_sum3A_119 : vector<16xi32>, vector<16xi1> -> vector<16xi32>
    %reduce_sum3A_121 = vector.extract %reduce_sum3A_120[15] : i32 from vector<16xi32>
    %add3A_122 = vector.broadcast %reduce_sum3A_121 : i32 to vector<16xi32>
    %add3A_123 = arith.addi %add3A_79, %add3A_122 : vector<16xi32>
    %sub3A_124 = vector.broadcast %reduce_sum3A_121 : i32 to vector<16xi32>
    %sub3A_125 = arith.subi %sub3A_81, %sub3A_124 : vector<16xi32>
    %shift_left3A_126 = arith.constant 10 : i32
    %shift_left3A_127 = vector.broadcast %shift_left3A_126 : i32 to vector<16xi32>
    %shift_left3A_128 = arith.shli %or3A_85, %shift_left3A_127 : vector<16xi32>
    %or3A_129 = arith.ori %shift_left3A_128, %scan3A_110#1 : vector<16xi32>
    %eq3A = arith.constant 0 : i32
    %eq3A_130 = arith.cmpi eq, %arg1, %eq3A : i32
    %convert_element_type3A = arith.extui %eq3A_130 : i1 to i32
    %cond3A = arith.constant 0 : i32
    %cond3A_131 = arith.cmpi ne, %convert_element_type3A, %cond3A : i32
    scf.if %cond3A_131 {
      %eq3A_132 = arith.constant 0 : i32
      %eq3A_133 = vector.broadcast %eq3A_132 : i32 to vector<16xi32>
      %eq3A_134 = arith.cmpi eq, %iota3A, %eq3A_133 : vector<16xi32>
      %eq3A_135 = arith.constant 1 : i32
      %eq3A_136 = vector.broadcast %eq3A_135 : i32 to vector<16xi32>
      %eq3A_137 = arith.cmpi eq, %iota3A, %eq3A_136 : vector<16xi32>
      %select_n3A = arith.select %eq3A_137, %add3A_123, %broadcast_in_dim3A_2 : vector<16xi1>, vector<16xi32>
      %select_n3A_138 = arith.select %eq3A_134, %or3A_129, %select_n3A : vector<16xi1>, vector<16xi32>
      %swap3A = arith.constant 0 : index
      %swap3A_139 = tpu.vector_load %arg10[%swap3A] {strides = array<i32>} : memref<16xi32, #tpu.memory_space<vmem>>, vector<16xi32>,
      tpu.vector_store %arg10[%swap3A], %select_n3A_138 {strides = array<i32>} : memref<16xi32, #tpu.memory_space<vmem>>, vector<16xi32>,
      "tpu.region"() ({
        %run_scoped3A = tpu.sem_alloc : memref<!tpu.dma_semaphore, #tpu.memory_space<semaphore_mem>>
        tpu.enqueue_dma source(%arg10 : memref<16xi32, #tpu.memory_space<vmem>>) target(%arg4 : memref<16xi32, #tpu.memory_space<hbm>>) target_semaphore(%run_scoped3A : memref<!tpu.dma_semaphore, #tpu.memory_space<semaphore_mem>>)
        tpu.wait_dma2 semaphore(%run_scoped3A : memref<!tpu.dma_semaphore, #tpu.memory_space<semaphore_mem>>) src(%arg10 : memref<16xi32, #tpu.memory_space<vmem>>) dst(%arg4 : memref<16xi32, #tpu.memory_space<hbm>>)
        tpu.yield
      }) : () -> ()
    } else {
    }
    return
  }
}

module attributes {stable_mosaic.version = 14 : i64} {
  func.func @_stream_kernel(%arg0: i32, %arg1: memref<1x11x192x384xf32, #tpu.memory_space<vmem>>, %arg2: memref<1x11x192x384xi32, #tpu.memory_space<vmem>>, %arg3: memref<8xf32, #tpu.memory_space<smem>>, %arg4: memref<192x384xi32, #tpu.memory_space<vmem>>) attributes {dimension_semantics = [#tpu.dimension_semantics<arbitrary>], iteration_bounds = array<i64: 16>, scalar_prefetch = 0 : i64, scratch_operands = 0 : i64, tpu.core_type = #tpu.core_type<tc>, window_params = [{transform_indices = @transform_0, window_bounds = array<i64: 1, 11, 192, 384>}, {transform_indices = @transform_1, window_bounds = array<i64: 1, 11, 192, 384>}, {transform_indices = @transform_2, window_bounds = array<i64: 8>}, {transform_indices = @transform_3, window_bounds = array<i64: 192, 384>}]} {
    %eq3A = arith.constant 0 : i32
    %eq3A_0 = arith.cmpi eq, %arg0, %eq3A : i32
    %convert_element_type3A = arith.extui %eq3A_0 : i1 to i32
    %cond3A = arith.constant 0 : i32
    %cond3A_1 = arith.cmpi ne, %convert_element_type3A, %cond3A : i32
    scf.if %cond3A_1 {
      %swap3A_95 = arith.constant 0.000000e+00 : f32
      %swap3A_96 = arith.constant 0 : index
      %swap3A_97 = memref.load %arg3[%swap3A_96] : memref<8xf32, #tpu.memory_space<smem>>
      memref.store %swap3A_95, %arg3[%swap3A_96] : memref<8xf32, #tpu.memory_space<smem>>
      %swap3A_98 = arith.constant 0.000000e+00 : f32
      %swap3A_99 = arith.constant 1 : index
      %swap3A_100 = memref.load %arg3[%swap3A_99] : memref<8xf32, #tpu.memory_space<smem>>
      memref.store %swap3A_98, %arg3[%swap3A_99] : memref<8xf32, #tpu.memory_space<smem>>
      %swap3A_101 = arith.constant 0.000000e+00 : f32
      %swap3A_102 = arith.constant 2 : index
      %swap3A_103 = memref.load %arg3[%swap3A_102] : memref<8xf32, #tpu.memory_space<smem>>
      memref.store %swap3A_101, %arg3[%swap3A_102] : memref<8xf32, #tpu.memory_space<smem>>
      %swap3A_104 = arith.constant 0.000000e+00 : f32
      %swap3A_105 = arith.constant 3 : index
      %swap3A_106 = memref.load %arg3[%swap3A_105] : memref<8xf32, #tpu.memory_space<smem>>
      memref.store %swap3A_104, %arg3[%swap3A_105] : memref<8xf32, #tpu.memory_space<smem>>
    } else {
    }
    %get3A = arith.constant 0 : index
    %get3A_2 = arith.constant 0 : index
    %get3A_3 = arith.constant 0 : index
    %get3A_4 = arith.constant 0 : index
    %get3A_5 = vector.load %arg1[%get3A, %get3A_2, %get3A_3, %get3A_4] : memref<1x11x192x384xf32, #tpu.memory_space<vmem>>, vector<1x11x192x384xf32>
    %get3A_6 = vector.shape_cast %get3A_5 : vector<1x11x192x384xf32> to vector<11x192x384xf32>
    %get3A_7 = arith.constant 0 : index
    %get3A_8 = arith.constant 0 : index
    %get3A_9 = arith.constant 0 : index
    %get3A_10 = arith.constant 0 : index
    %get3A_11 = vector.load %arg2[%get3A_7, %get3A_8, %get3A_9, %get3A_10] : memref<1x11x192x384xi32, #tpu.memory_space<vmem>>, vector<1x11x192x384xi32>
    %get3A_12 = vector.shape_cast %get3A_11 : vector<1x11x192x384xi32> to vector<11x192x384xi32>
    %slice3A = vector.extract_strided_slice %get3A_6 {offsets = [0, 0, 0], sizes = [1, 192, 384], strides = [1, 1, 1]} : vector<11x192x384xf32> to vector<1x192x384xf32>
    %squeeze3A = vector.shape_cast %slice3A : vector<1x192x384xf32> to vector<192x384xf32>
    %slice3A_13 = vector.extract_strided_slice %get3A_12 {offsets = [0, 0, 0], sizes = [1, 192, 384], strides = [1, 1, 1]} : vector<11x192x384xi32> to vector<1x192x384xi32>
    %squeeze3A_14 = vector.shape_cast %slice3A_13 : vector<1x192x384xi32> to vector<192x384xi32>
    %ne3A = arith.constant 1 : i32
    %ne3A_15 = vector.broadcast %ne3A : i32 to vector<192x384xi32>
    %ne3A_16 = arith.cmpi ne, %squeeze3A_14, %ne3A_15 : vector<192x384xi32>
    %convert_element_type3A_17 = arith.extui %ne3A_16 : vector<192x384xi1> to vector<192x384xi32>
    %convert_element_type3A_18 = arith.sitofp %convert_element_type3A_17 : vector<192x384xi32> to vector<192x384xf32>
    %max3A = arith.constant 0.000000e+00 : f32
    %max3A_19 = vector.broadcast %max3A : f32 to vector<192x384xf32>
    %max3A_20 = arith.maximumf %squeeze3A, %max3A_19 : vector<192x384xf32>
    %mul3A = arith.mulf %squeeze3A, %convert_element_type3A_18 : vector<192x384xf32>
    %sub3A = arith.subf %max3A_20, %mul3A : vector<192x384xf32>
    %abs3A = math.absf %squeeze3A : vector<192x384xf32>
    %neg3A = arith.constant 0.000000e+00 : f32
    %neg3A_21 = vector.broadcast %neg3A : f32 to vector<192x384xf32>
    %neg3A_22 = arith.subf %neg3A_21, %abs3A : vector<192x384xf32>
    %exp3A = math.exp %neg3A_22 : vector<192x384xf32>
    %log1p3A = math.log1p %exp3A : vector<192x384xf32>
    %add3A = arith.addf %sub3A, %log1p3A : vector<192x384xf32>
    %sub3A_23 = arith.constant 1.000000e+00 : f32
    %sub3A_24 = vector.broadcast %sub3A_23 : f32 to vector<192x384xf32>
    %sub3A_25 = arith.subf %sub3A_24, %convert_element_type3A_18 : vector<192x384xf32>
    %mul3A_26 = arith.mulf %add3A, %sub3A_25 : vector<192x384xf32>
    %slice3A_27 = vector.extract_strided_slice %get3A_6 {offsets = [1, 0, 0], sizes = [10, 192, 384], strides = [1, 1, 1]} : vector<11x192x384xf32> to vector<10x192x384xf32>
    %slice3A_28 = vector.extract_strided_slice %get3A_12 {offsets = [1, 0, 0], sizes = [10, 192, 384], strides = [1, 1, 1]} : vector<11x192x384xi32> to vector<10x192x384xi32>
    %reduce_max3A = arith.constant dense<0xFF800000> : vector<192x384xf32>
    %reduce_max3A_29 = vector.multi_reduction <maximumf>, %slice3A_27, %reduce_max3A [0] : vector<10x192x384xf32> to vector<192x384xf32>
    %broadcast_in_dim3A = vector.shape_cast %reduce_max3A_29 : vector<192x384xf32> to vector<1x192x384xf32>
    %sub3A_30 = vector.broadcast %broadcast_in_dim3A : vector<1x192x384xf32> to vector<10x192x384xf32>
    %sub3A_31 = arith.subf %slice3A_27, %sub3A_30 : vector<10x192x384xf32>
    %exp3A_32 = math.exp %sub3A_31 : vector<10x192x384xf32>
    %reduce_sum3A = arith.constant dense<0.000000e+00> : vector<192x384xf32>
    %reduce_sum3A_33 = vector.multi_reduction <add>, %exp3A_32, %reduce_sum3A [0] : vector<10x192x384xf32> to vector<192x384xf32>
    %log3A = math.log %reduce_sum3A_33 : vector<192x384xf32>
    %add3A_34 = arith.addf %reduce_max3A_29, %log3A : vector<192x384xf32>
    %reduce_sum3A_35 = arith.constant dense<0> : vector<192x384xi32>
    %reduce_sum3A_36 = vector.multi_reduction <add>, %slice3A_28, %reduce_sum3A_35 [0] : vector<10x192x384xi32> to vector<192x384xi32>
    %convert_element_type3A_37 = arith.sitofp %reduce_sum3A_36 : vector<192x384xi32> to vector<192x384xf32>
    %eq3A_38 = arith.constant 1 : i32
    %eq3A_39 = vector.broadcast %eq3A_38 : i32 to vector<10x192x384xi32>
    %eq3A_40 = arith.cmpi eq, %slice3A_28, %eq3A_39 : vector<10x192x384xi32>
    %jit3A = arith.constant 0.000000e+00 : f32
    %broadcast_in_dim3A_41 = vector.broadcast %jit3A : f32 to vector<10x192x384xf32>
    %select_n3A = arith.select %eq3A_40, %slice3A_27, %broadcast_in_dim3A_41 : vector<10x192x384xi1>, vector<10x192x384xf32>
    %reduce_sum3A_42 = arith.constant dense<0.000000e+00> : vector<192x384xf32>
    %reduce_sum3A_43 = vector.multi_reduction <add>, %select_n3A, %reduce_sum3A_42 [0] : vector<10x192x384xf32> to vector<192x384xf32>
    %mul3A_44 = arith.mulf %convert_element_type3A_37, %add3A_34 : vector<192x384xf32>
    %sub3A_45 = arith.subf %mul3A_44, %reduce_sum3A_43 : vector<192x384xf32>
    %get3A_46 = arith.constant 0 : index
    %get3A_47 = memref.load %arg3[%get3A_46] : memref<8xf32, #tpu.memory_space<smem>>
    %reduce_sum3A_48 = vector.shape_cast %convert_element_type3A_18 : vector<192x384xf32> to vector<1x192x384xf32>
    %reduce_sum3A_49 = arith.constant dense<0.000000e+00> : vector<1xf32>
    %reduce_sum3A_50 = vector.multi_reduction <add>, %reduce_sum3A_48, %reduce_sum3A_49 [1, 2] : vector<1x192x384xf32> to vector<1xf32>
    %reduce_sum3A_51 = vector.shape_cast %reduce_sum3A_50 : vector<1xf32> to vector<1x1x1xf32>
    %reduce_sum3A_52 = vector.extract %reduce_sum3A_51[0, 0, 0] : f32 from vector<1x1x1xf32>
    %add3A_53 = arith.addf %get3A_47, %reduce_sum3A_52 : f32
    %swap3A = arith.constant 0 : index
    %swap3A_54 = memref.load %arg3[%swap3A] : memref<8xf32, #tpu.memory_space<smem>>
    memref.store %add3A_53, %arg3[%swap3A] : memref<8xf32, #tpu.memory_space<smem>>
    %get3A_55 = arith.constant 1 : index
    %get3A_56 = memref.load %arg3[%get3A_55] : memref<8xf32, #tpu.memory_space<smem>>
    %mul3A_57 = arith.mulf %add3A, %convert_element_type3A_18 : vector<192x384xf32>
    %reduce_sum3A_58 = vector.shape_cast %mul3A_57 : vector<192x384xf32> to vector<1x192x384xf32>
    %reduce_sum3A_59 = arith.constant dense<0.000000e+00> : vector<1xf32>
    %reduce_sum3A_60 = vector.multi_reduction <add>, %reduce_sum3A_58, %reduce_sum3A_59 [1, 2] : vector<1x192x384xf32> to vector<1xf32>
    %reduce_sum3A_61 = vector.shape_cast %reduce_sum3A_60 : vector<1xf32> to vector<1x1x1xf32>
    %reduce_sum3A_62 = vector.extract %reduce_sum3A_61[0, 0, 0] : f32 from vector<1x1x1xf32>
    %add3A_63 = arith.addf %get3A_56, %reduce_sum3A_62 : f32
    %swap3A_64 = arith.constant 1 : index
    %swap3A_65 = memref.load %arg3[%swap3A_64] : memref<8xf32, #tpu.memory_space<smem>>
    memref.store %add3A_63, %arg3[%swap3A_64] : memref<8xf32, #tpu.memory_space<smem>>
    %get3A_66 = arith.constant 2 : index
    %get3A_67 = memref.load %arg3[%get3A_66] : memref<8xf32, #tpu.memory_space<smem>>
    %reduce_sum3A_68 = vector.shape_cast %add3A : vector<192x384xf32> to vector<1x192x384xf32>
    %reduce_sum3A_69 = arith.constant dense<0.000000e+00> : vector<1xf32>
    %reduce_sum3A_70 = vector.multi_reduction <add>, %reduce_sum3A_68, %reduce_sum3A_69 [1, 2] : vector<1x192x384xf32> to vector<1xf32>
    %reduce_sum3A_71 = vector.shape_cast %reduce_sum3A_70 : vector<1xf32> to vector<1x1x1xf32>
    %reduce_sum3A_72 = vector.extract %reduce_sum3A_71[0, 0, 0] : f32 from vector<1x1x1xf32>
    %add3A_73 = arith.addf %get3A_67, %reduce_sum3A_72 : f32
    %swap3A_74 = arith.constant 2 : index
    %swap3A_75 = memref.load %arg3[%swap3A_74] : memref<8xf32, #tpu.memory_space<smem>>
    memref.store %add3A_73, %arg3[%swap3A_74] : memref<8xf32, #tpu.memory_space<smem>>
    %get3A_76 = arith.constant 3 : index
    %get3A_77 = memref.load %arg3[%get3A_76] : memref<8xf32, #tpu.memory_space<smem>>
    %mul3A_78 = arith.mulf %sub3A_45, %convert_element_type3A_18 : vector<192x384xf32>
    %reduce_sum3A_79 = vector.shape_cast %mul3A_78 : vector<192x384xf32> to vector<1x192x384xf32>
    %reduce_sum3A_80 = arith.constant dense<0.000000e+00> : vector<1xf32>
    %reduce_sum3A_81 = vector.multi_reduction <add>, %reduce_sum3A_79, %reduce_sum3A_80 [1, 2] : vector<1x192x384xf32> to vector<1xf32>
    %reduce_sum3A_82 = vector.shape_cast %reduce_sum3A_81 : vector<1xf32> to vector<1x1x1xf32>
    %reduce_sum3A_83 = vector.extract %reduce_sum3A_82[0, 0, 0] : f32 from vector<1x1x1xf32>
    %add3A_84 = arith.addf %get3A_77, %reduce_sum3A_83 : f32
    %swap3A_85 = arith.constant 3 : index
    %swap3A_86 = memref.load %arg3[%swap3A_85] : memref<8xf32, #tpu.memory_space<smem>>
    memref.store %add3A_84, %arg3[%swap3A_85] : memref<8xf32, #tpu.memory_space<smem>>
    %bitcast_convert_type3A = tpu.bitcast %mul3A_26 : vector<192x384xf32> -> vector<192x384xi32>
    %swap3A_87 = arith.constant 0 : index
    %swap3A_88 = arith.constant 0 : index
    %swap3A_89 = vector.load %arg4[%swap3A_87, %swap3A_88] : memref<192x384xi32, #tpu.memory_space<vmem>>, vector<192x384xi32>
    tpu.vector_store %arg4[%swap3A_87, %swap3A_88], %bitcast_convert_type3A {strides = array<i32>} : memref<192x384xi32, #tpu.memory_space<vmem>>, vector<192x384xi32>,
    %eq3A_90 = arith.constant 15 : i32
    %eq3A_91 = arith.cmpi eq, %arg0, %eq3A_90 : i32
    %convert_element_type3A_92 = arith.extui %eq3A_91 : i1 to i32
    %cond3A_93 = arith.constant 0 : i32
    %cond3A_94 = arith.cmpi ne, %convert_element_type3A_92, %cond3A_93 : i32
    scf.if %cond3A_94 {
      %get3A_95 = arith.constant 0 : index
      %get3A_96 = memref.load %arg3[%get3A_95] : memref<8xf32, #tpu.memory_space<smem>>
      %get3A_97 = arith.constant 1 : index
      %get3A_98 = memref.load %arg3[%get3A_97] : memref<8xf32, #tpu.memory_space<smem>>
      %get3A_99 = arith.constant 2 : index
      %get3A_100 = memref.load %arg3[%get3A_99] : memref<8xf32, #tpu.memory_space<smem>>
      %sub3A_101 = arith.subf %get3A_100, %get3A_98 : f32
      %convert_element_type3A_102 = arith.fptosi %get3A_96 : f32 to i32
      %max3A_103 = arith.constant 1 : i32
      %max3A_104 = arith.maxsi %convert_element_type3A_102, %max3A_103 : i32
      %convert_element_type3A_105 = arith.sitofp %max3A_104 : i32 to f32
      %sub3A_106 = arith.constant 1179648 : i32
      %sub3A_107 = arith.subi %sub3A_106, %convert_element_type3A_102 : i32
      %max3A_108 = arith.constant 1 : i32
      %max3A_109 = arith.maxsi %sub3A_107, %max3A_108 : i32
      %convert_element_type3A_110 = arith.sitofp %max3A_109 : i32 to f32
      %mul3A_111 = arith.constant 1.500000e+01 : f32
      %mul3A_112 = arith.mulf %mul3A_111, %get3A_98 : f32
      %div3A = arith.divf %mul3A_112, %convert_element_type3A_105 : f32
      %mul3A_113 = arith.constant 1.000000e+00 : f32
      %mul3A_114 = arith.mulf %mul3A_113, %sub3A_101 : f32
      %div3A_115 = arith.divf %mul3A_114, %convert_element_type3A_110 : f32
      %add3A_116 = arith.addf %div3A, %div3A_115 : f32
      %mul3A_117 = arith.constant 5.000000e+00 : f32
      %mul3A_118 = arith.mulf %mul3A_117, %sub3A_101 : f32
      %div3A_119 = arith.divf %mul3A_118, %convert_element_type3A_105 : f32
      %add3A_120 = arith.addf %add3A_116, %div3A_119 : f32
      %get3A_121 = arith.constant 3 : index
      %get3A_122 = memref.load %arg3[%get3A_121] : memref<8xf32, #tpu.memory_space<smem>>
      %div3A_123 = arith.divf %get3A_122, %convert_element_type3A_105 : f32
      %add3A_124 = arith.addf %add3A_120, %div3A_123 : f32
      %swap3A_125 = arith.constant 4 : index
      %swap3A_126 = memref.load %arg3[%swap3A_125] : memref<8xf32, #tpu.memory_space<smem>>
      memref.store %add3A_124, %arg3[%swap3A_125] : memref<8xf32, #tpu.memory_space<smem>>
    } else {
    }
    return
  }
  func.func @transform_0(%arg0: i32) -> (i32, i32, i32, i32) {
    %jit3A = arith.constant 2 : i32
    %div3A = arith.divsi %arg0, %jit3A : i32
    %sign3A = arith.constant 0 : i32
    %sign3A_0 = arith.cmpi sgt, %arg0, %sign3A : i32
    %sign3A_1 = arith.extui %sign3A_0 : i1 to i32
    %sign3A_2 = arith.constant 0 : i32
    %sign3A_3 = arith.cmpi slt, %arg0, %sign3A_2 : i32
    %sign3A_4 = arith.extui %sign3A_3 : i1 to i32
    %sign3A_5 = arith.subi %sign3A_1, %sign3A_4 : i32
    %sign3A_6 = arith.constant 0 : i32
    %sign3A_7 = arith.cmpi sgt, %jit3A, %sign3A_6 : i32
    %sign3A_8 = arith.extui %sign3A_7 : i1 to i32
    %sign3A_9 = arith.constant 0 : i32
    %sign3A_10 = arith.cmpi slt, %jit3A, %sign3A_9 : i32
    %sign3A_11 = arith.extui %sign3A_10 : i1 to i32
    %sign3A_12 = arith.subi %sign3A_8, %sign3A_11 : i32
    %ne3A = arith.cmpi ne, %sign3A_5, %sign3A_12 : i32
    %rem3A = arith.remsi %arg0, %jit3A : i32
    %ne3A_13 = arith.constant 0 : i32
    %ne3A_14 = arith.cmpi ne, %rem3A, %ne3A_13 : i32
    %and3A = arith.andi %ne3A, %ne3A_14 : i1
    %sub3A = arith.constant 1 : i32
    %sub3A_15 = arith.subi %div3A, %sub3A : i32
    %select_n3A = arith.select %and3A, %sub3A_15, %div3A : i32
    %jit3A_16 = arith.constant 2 : i32
    %eq3A = arith.constant 0 : i32
    %eq3A_17 = arith.cmpi eq, %jit3A_16, %eq3A : i32
    %jit3A_18 = arith.constant 1 : i32
    %select_n3A_19 = arith.select %eq3A_17, %jit3A_18, %jit3A_16 : i32
    %rem3A_20 = arith.remsi %arg0, %select_n3A_19 : i32
    %ne3A_21 = arith.constant 0 : i32
    %ne3A_22 = arith.cmpi ne, %rem3A_20, %ne3A_21 : i32
    %lt3A = arith.constant 0 : i32
    %lt3A_23 = arith.cmpi slt, %rem3A_20, %lt3A : i32
    %lt3A_24 = arith.constant 0 : i32
    %lt3A_25 = arith.cmpi slt, %select_n3A_19, %lt3A_24 : i32
    %ne3A_26 = arith.xori %lt3A_23, %lt3A_25 : i1
    %and3A_27 = arith.andi %ne3A_26, %ne3A_22 : i1
    %add3A = arith.addi %rem3A_20, %select_n3A_19 : i32
    %select_n3A_28 = arith.select %and3A_27, %add3A, %rem3A_20 : i32
    %c0_i32 = arith.constant 0 : i32
    %c0_i32_29 = arith.constant 0 : i32
    %c0_i32_30 = arith.constant 0 : i32
    return %select_n3A, %c0_i32, %select_n3A_28, %c0_i32_29 : i32, i32, i32, i32
  }
  func.func @transform_1(%arg0: i32) -> (i32, i32, i32, i32) {
    %jit3A = arith.constant 2 : i32
    %div3A = arith.divsi %arg0, %jit3A : i32
    %sign3A = arith.constant 0 : i32
    %sign3A_0 = arith.cmpi sgt, %arg0, %sign3A : i32
    %sign3A_1 = arith.extui %sign3A_0 : i1 to i32
    %sign3A_2 = arith.constant 0 : i32
    %sign3A_3 = arith.cmpi slt, %arg0, %sign3A_2 : i32
    %sign3A_4 = arith.extui %sign3A_3 : i1 to i32
    %sign3A_5 = arith.subi %sign3A_1, %sign3A_4 : i32
    %sign3A_6 = arith.constant 0 : i32
    %sign3A_7 = arith.cmpi sgt, %jit3A, %sign3A_6 : i32
    %sign3A_8 = arith.extui %sign3A_7 : i1 to i32
    %sign3A_9 = arith.constant 0 : i32
    %sign3A_10 = arith.cmpi slt, %jit3A, %sign3A_9 : i32
    %sign3A_11 = arith.extui %sign3A_10 : i1 to i32
    %sign3A_12 = arith.subi %sign3A_8, %sign3A_11 : i32
    %ne3A = arith.cmpi ne, %sign3A_5, %sign3A_12 : i32
    %rem3A = arith.remsi %arg0, %jit3A : i32
    %ne3A_13 = arith.constant 0 : i32
    %ne3A_14 = arith.cmpi ne, %rem3A, %ne3A_13 : i32
    %and3A = arith.andi %ne3A, %ne3A_14 : i1
    %sub3A = arith.constant 1 : i32
    %sub3A_15 = arith.subi %div3A, %sub3A : i32
    %select_n3A = arith.select %and3A, %sub3A_15, %div3A : i32
    %jit3A_16 = arith.constant 2 : i32
    %eq3A = arith.constant 0 : i32
    %eq3A_17 = arith.cmpi eq, %jit3A_16, %eq3A : i32
    %jit3A_18 = arith.constant 1 : i32
    %select_n3A_19 = arith.select %eq3A_17, %jit3A_18, %jit3A_16 : i32
    %rem3A_20 = arith.remsi %arg0, %select_n3A_19 : i32
    %ne3A_21 = arith.constant 0 : i32
    %ne3A_22 = arith.cmpi ne, %rem3A_20, %ne3A_21 : i32
    %lt3A = arith.constant 0 : i32
    %lt3A_23 = arith.cmpi slt, %rem3A_20, %lt3A : i32
    %lt3A_24 = arith.constant 0 : i32
    %lt3A_25 = arith.cmpi slt, %select_n3A_19, %lt3A_24 : i32
    %ne3A_26 = arith.xori %lt3A_23, %lt3A_25 : i1
    %and3A_27 = arith.andi %ne3A_26, %ne3A_22 : i1
    %add3A = arith.addi %rem3A_20, %select_n3A_19 : i32
    %select_n3A_28 = arith.select %and3A_27, %add3A, %rem3A_20 : i32
    %c0_i32 = arith.constant 0 : i32
    %c0_i32_29 = arith.constant 0 : i32
    %c0_i32_30 = arith.constant 0 : i32
    return %select_n3A, %c0_i32, %select_n3A_28, %c0_i32_29 : i32, i32, i32, i32
  }
  func.func @transform_2(%arg0: i32) -> i32 {
    %c0_i32 = arith.constant 0 : i32
    %c0_i32_0 = arith.constant 0 : i32
    return %c0_i32 : i32
  }
  func.func @transform_3(%arg0: i32) -> (i32, i32) {
    %c0_i32 = arith.constant 0 : i32
    %c0_i32_0 = arith.constant 0 : i32
    return %arg0, %c0_i32 : i32, i32
  }
}

module attributes {stable_mosaic.version = 14 : i64} {
  func.func @_finish_kernel(%arg0: memref<3072x384xi32, #tpu.memory_space<vmem>>, %arg1: memref<16xi32, #tpu.memory_space<smem>>, %arg2: memref<8xf32, #tpu.memory_space<smem>>, %arg3: memref<1x1xf32, #tpu.memory_space<smem>>) attributes {dimension_semantics = [], scalar_prefetch = 0 : i64, scratch_operands = 0 : i64, tpu.core_type = #tpu.core_type<tc>} {
    %get3A = arith.constant 0 : index
    %get3A_0 = memref.load %arg1[%get3A] : memref<16xi32, #tpu.memory_space<smem>>
    %get3A_1 = arith.constant 0 : index
    %get3A_2 = arith.constant 0 : index
    %get3A_3 = vector.load %arg0[%get3A_1, %get3A_2] : memref<3072x384xi32, #tpu.memory_space<vmem>>, vector<3072x384xi32>
    %bitcast_convert_type3A = tpu.bitcast %get3A_3 : vector<3072x384xi32> -> vector<3072x384xf32>
    %gt3A = vector.broadcast %get3A_0 : i32 to vector<3072x384xi32>
    %gt3A_4 = arith.cmpi sgt, %get3A_3, %gt3A : vector<3072x384xi32>
    %convert_element_type3A = arith.extui %gt3A_4 : vector<3072x384xi1> to vector<3072x384xi32>
    %reduce_sum3A = vector.shape_cast %convert_element_type3A : vector<3072x384xi32> to vector<1x3072x384xi32>
    %reduce_sum3A_5 = arith.constant dense<0> : vector<1xi32>
    %reduce_sum3A_6 = vector.multi_reduction <add>, %reduce_sum3A, %reduce_sum3A_5 [1, 2] : vector<1x3072x384xi32> to vector<1xi32>
    %reduce_sum3A_7 = vector.shape_cast %reduce_sum3A_6 : vector<1xi32> to vector<1x1x1xi32>
    %reduce_sum3A_8 = vector.extract %reduce_sum3A_7[0, 0, 0] : i32 from vector<1x1x1xi32>
    %jit3A = arith.constant 0.000000e+00 : f32
    %broadcast_in_dim3A = vector.broadcast %jit3A : f32 to vector<3072x384xf32>
    %select_n3A = arith.select %gt3A_4, %bitcast_convert_type3A, %broadcast_in_dim3A : vector<3072x384xi1>, vector<3072x384xf32>
    %reduce_sum3A_9 = vector.shape_cast %select_n3A : vector<3072x384xf32> to vector<1x3072x384xf32>
    %reduce_sum3A_10 = arith.constant dense<0.000000e+00> : vector<1xf32>
    %reduce_sum3A_11 = vector.multi_reduction <add>, %reduce_sum3A_9, %reduce_sum3A_10 [1, 2] : vector<1x3072x384xf32> to vector<1xf32>
    %reduce_sum3A_12 = vector.shape_cast %reduce_sum3A_11 : vector<1xf32> to vector<1x1x1xf32>
    %reduce_sum3A_13 = vector.extract %reduce_sum3A_12[0, 0, 0] : f32 from vector<1x1x1xf32>
    %bitcast_convert_type3A_14 = arith.bitcast %get3A_0 : i32 to f32
    %get3A_15 = arith.constant 0 : index
    %get3A_16 = memref.load %arg2[%get3A_15] : memref<8xf32, #tpu.memory_space<smem>>
    %get3A_17 = arith.constant 1 : index
    %get3A_18 = memref.load %arg2[%get3A_17] : memref<8xf32, #tpu.memory_space<smem>>
    %get3A_19 = arith.constant 2 : index
    %get3A_20 = memref.load %arg2[%get3A_19] : memref<8xf32, #tpu.memory_space<smem>>
    %sub3A = arith.subf %get3A_20, %get3A_18 : f32
    %get3A_21 = arith.constant 3 : index
    %get3A_22 = memref.load %arg2[%get3A_21] : memref<8xf32, #tpu.memory_space<smem>>
    %convert_element_type3A_23 = arith.fptosi %get3A_16 : f32 to i32
    %max3A = arith.constant 1 : i32
    %max3A_24 = arith.maxsi %convert_element_type3A_23, %max3A : i32
    %convert_element_type3A_25 = arith.sitofp %max3A_24 : i32 to f32
    %sub3A_26 = arith.constant 1179648 : i32
    %sub3A_27 = arith.subi %sub3A_26, %convert_element_type3A_23 : i32
    %max3A_28 = arith.constant 1 : i32
    %max3A_29 = arith.maxsi %sub3A_27, %max3A_28 : i32
    %convert_element_type3A_30 = arith.sitofp %max3A_29 : i32 to f32
    %sub3A_31 = arith.subi %max3A_24, %reduce_sum3A_8 : i32
    %convert_element_type3A_32 = arith.sitofp %sub3A_31 : i32 to f32
    %mul3A = arith.mulf %convert_element_type3A_32, %bitcast_convert_type3A_14 : f32
    %add3A = arith.addf %reduce_sum3A_13, %mul3A : f32
    %mul3A_33 = arith.constant 1.500000e+01 : f32
    %mul3A_34 = arith.mulf %mul3A_33, %get3A_18 : f32
    %div3A = arith.divf %mul3A_34, %convert_element_type3A_25 : f32
    %mul3A_35 = arith.constant 1.000000e+00 : f32
    %mul3A_36 = arith.mulf %mul3A_35, %sub3A : f32
    %div3A_37 = arith.divf %mul3A_36, %convert_element_type3A_30 : f32
    %add3A_38 = arith.addf %div3A, %div3A_37 : f32
    %mul3A_39 = arith.constant 5.000000e+00 : f32
    %mul3A_40 = arith.mulf %mul3A_39, %add3A : f32
    %div3A_41 = arith.divf %mul3A_40, %convert_element_type3A_25 : f32
    %add3A_42 = arith.addf %add3A_38, %div3A_41 : f32
    %div3A_43 = arith.divf %get3A_22, %convert_element_type3A_25 : f32
    %add3A_44 = arith.addf %add3A_42, %div3A_43 : f32
    %swap3A = arith.constant 0 : index
    %swap3A_45 = arith.constant 0 : index
    %swap3A_46 = memref.load %arg3[%swap3A, %swap3A_45] : memref<1x1xf32, #tpu.memory_space<smem>>
    memref.store %add3A_44, %arg3[%swap3A, %swap3A_45] : memref<1x1xf32, #tpu.memory_space<smem>>
    return
  }
}

</mosaic_0001>

<sc_bundles>
// kernel: branch_0_fun.4.cloned.1.call-start
scs
__scs_entry_jumppad:
0x0: {  	(pc) =	sbr.rel $0x88, $3  }
0x1: {  	(tag) =	ssettag $0x0;
	lr =	simm.s32 $0x1  }
0x2: {  	[smem:$0x3F9F] =	sst lr;
	_ =	strace $0xD0000000  }
0x3: {  	_ = 	snop  }
0x4: {  	_ = 	snop  }
0x5: {  	_ = 	snop  }
0x6: {  	_ = 	snop  }
0x7: {  	_ = 	snop  }
__scs_overlays_trampoline_lowered:
0x8: {  	[smem:$0x3FAE] =	sst s0  }
0x9: {  	[smem:$0x3FAF] =	sst s1  }
0xa: {  	[smem:$0x3FB0] =	sst s2  }
0xb: {  	[smem:$0x3FB1] =	sst s3  }
0xc: {  	[smem:$0x3FB2] =	sst s4  }
0xd: {  	[smem:$0x3FB3] =	sst s5  }
0xe: {  	[smem:$0x3FB4] =	sst s6  }
0xf: {  	[smem:$0x3FB5] =	sst s7  }
0x10: {  	[smem:$0x3FB6] =	sst s8  }
0x11: {  	[smem:$0x3FB7] =	sst s9;
	s0 =	simm.s32 @!p0 $0x0  }
0x12: {  	s1 =	sld [smem:$0x3F9D];
	s0 =	simm.s32 @p0 $0x1  }
0x13: {  	[smem:$0x3FB8] =	sst s0;
	s0 =	simm.s32 @!p1 $0x0  }
0x14: {  	s2 =	sld [smem:$0x3F9C];
	s0 =	simm.s32 @p1 $0x1  }
0x15: {  	[smem:$0x3FB9] =	sst s0;
	s0 =	simm.s32 @!p2 $0x0  }
0x16: {  	s3 =	sld [smem:$0x3FDB];
	s0 =	simm.s32 @p2 $0x1  }
0x17: {  	s4 =	simm.s32 $0x1BF5;
	[smem:$0x3FBB] =	sst s0  }
0x18: {  	s0 =	sld [smem:$0x3F9E];
	_ =	swait.ge [sflag:s4], $0x0  }
0x19: {  	s7 =	sld [smem:$0x3F9F]  }
0x1a: {  	s8 =	sadd.s32 $0xFFFFE003, lr  }
0x1b: {  	s9 =	sadd.s32 $0xFFFFFEF7, lr;
	s5 =	simm.s32 $0xFFFFFFFF;
	p2 =	slt.u32 s8, $0xFFFFF086  }
0x1c: {  	p1 =	slt.u32 s9, $0xF7A;
	s5 =	simm.s32 @!p2 $0x0  }
0x1d: {  	s5 =	simm.s32 @p1 $0x1;
	p0 =	seq.s32 s7, s2  }
0x1e: {  	s7 =	smul.u32 @!p0 $0xF7A, s2;
	p2 =	seq.s32 @!p0 s5, $0x0  }
0x1f: {  	s9 =	smul.u32 $0xF7A, s1;
	s8 =	simm.s32 @!p0 $0x1BF5;
	p2 =	por !p2, p0  }
0x20: {  	[sflag:s8] =	ssyncset.s32 @!p0 $0xFFFFF086;
	s6 =	sadd.s32 @!p0 s3, s7;
	s7 =	simm.s32 @!p0 $0x108  }
0x21: {  	s3 =	sadd.s32 s3, s9;
	s6 =	sadd.s32 @!p0 $0x88, s6;
	s7 =	simm.s32 @p2 $0x1082  }
0x22: {  	[simem:s7], [sflag:s8] =	dma.local @!p0 [hbm:s6], $0xF7A  }
0x23: {  	s9 =	sor.u32 $0xD0000000, s2;
	s6 =	simm.s32 $0x108;
	_ =	swait.ge @!p0 [sflag:s8], $0x0  }
0x24: {  	s3 =	sadd.s32 $0x88, s3;
	s6 =	simm.s32 @!p1 $0x1082;
	[sflag:s4] =	ssyncset.s32 $0xFFFFF086  }
0x25: {  	[simem:s6], [sflag:s4] =	dma.local [hbm:s3], $0xF7A  }
0x26: {  	[smem:$0x3F9F] =	sst s1;
	(tag) =	ssettag s2;
	_ =	strace s9  }
0x27: {  	s1 =	sld [smem:$0x3FAF]  }
0x28: {  	s2 =	sld [smem:$0x3FB0]  }
0x29: {  	s4 =	sld [smem:$0x3FB2]  }
0x2a: {  	p0 =	seq.s32 s5, $0x0;
	s5 =	sld [smem:$0x3FB3]  }
0x2b: {  	s6 =	sld [smem:$0x3FB4]  }
0x2c: {  	s7 =	sld [smem:$0x3FB5]  }
0x2d: {  	s3 =	simm.s32 $0x108;
	s8 =	sld [smem:$0x3FB6]  }
0x2e: {  	s3 =	simm.s32 @!p0 $0x1082;
	s9 =	sld [smem:$0x3FB7]  }
0x2f: {  	lr =	sadd.s32 s0, s3;
	s0 =	sld [smem:$0x3FAE]  }
0x30: {  	s3 =	sld [smem:$0x3FB1]  }
0x31: {  	[smem:$0x3FBA] =	sst s10  }
0x32: {  	s10 =	sld [smem:$0x3FB8];
	_ =	sdelay $0x3  }
0x33: {  	p0 =	seq.s32 s10, $0x1;
	s10 =	sld [smem:$0x3FBA];
	_ =	sdelay $0x3  }
0x34: {  	[smem:$0x3FBA] =	sst s10  }
0x35: {  	s10 =	sld [smem:$0x3FB9];
	_ =	sdelay $0x3  }
0x36: {  	p1 =	seq.s32 s10, $0x1;
	s10 =	sld [smem:$0x3FBA];
	_ =	sdelay $0x3  }
0x37: {  	[smem:$0x3FBA] =	sst s10  }
0x38: {  	s10 =	sld [smem:$0x3FBB]  }
0x39: {  	_ = 	snop;
	(pc) =	sbr.ind lr, $3  }
0x3a: {  	_ = 	snop  }
0x3b: {  	_ = 	snop  }
0x3c: {  	p2 =	seq.s32 s10, $0x1;
	s10 =	sld [smem:$0x3FBA]  }
0x3d: {  	_ =	shalt  }
0x3e: {  	_ =	shalt  }
0x3f: {  	_ =	shalt  }
0x40: {  	_ =	shalt  }
0x41: {  	_ =	shalt  }
0x42: {  	_ =	shalt  }
0x43: {  	_ =	shalt  }
0x44: {  	_ =	shalt  }
0x45: {  	_ =	shalt  }
0x46: {  	_ =	shalt  }
0x47: {  	_ =	shalt  }
0x48: {  	_ =	shalt  }
0x49: {  	_ =	shalt  }
0x4a: {  	_ =	shalt  }
0x4b: {  	_ =	shalt  }
0x4c: {  	_ =	shalt  }
0x4d: {  	_ =	shalt  }
0x4e: {  	_ =	shalt  }
0x4f: {  	_ =	shalt  }
0x50: {  	_ =	shalt  }
0x51: {  	_ =	shalt  }
0x52: {  	_ =	shalt  }
0x53: {  	_ =	shalt  }
0x54: {  	_ =	shalt  }
0x55: {  	_ =	shalt  }
0x56: {  	_ =	shalt  }
0x57: {  	_ =	shalt  }
0x58: {  	_ =	shalt  }
0x59: {  	_ =	shalt  }
0x5a: {  	_ =	shalt  }
0x5b: {  	_ =	shalt  }
0x5c: {  	_ =	shalt  }
0x5d: {  	_ =	shalt  }
0x5e: {  	_ =	shalt  }
0x5f: {  	_ =	shalt  }
0x60: {  	_ =	shalt  }
0x61: {  	_ =	shalt  }
0x62: {  	_ =	shalt  }
0x63: {  	_ =	shalt  }
0x64: {  	_ =	shalt  }
0x65: {  	_ =	shalt  }
0x66: {  	_ =	shalt  }
0x67: {  	_ =	shalt  }
0x68: {  	_ =	shalt  }
0x69: {  	_ =	shalt  }
0x6a: {  	_ =	shalt  }
0x6b: {  	_ =	shalt  }
0x6c: {  	_ =	shalt  }
0x6d: {  	_ =	shalt  }
0x6e: {  	_ =	shalt  }
0x6f: {  	_ =	shalt  }
0x70: {  	_ =	shalt  }
0x71: {  	_ =	shalt  }
0x72: {  	_ =	shalt  }
0x73: {  	_ =	shalt  }
0x74: {  	_ =	shalt  }
0x75: {  	_ =	shalt  }
0x76: {  	_ =	shalt  }
0x77: {  	_ =	shalt  }
0x78: {  	_ =	shalt  }
0x79: {  	_ =	shalt  }
0x7a: {  	_ =	shalt  }
0x7b: {  	_ =	shalt  }
0x7c: {  	_ =	shalt  }
0x7d: {  	_ =	shalt  }
0x7e: {  	_ =	shalt  }
0x7f: {  	_ =	shalt  }
0x80: {  	_ =	shalt  }
0x81: {  	_ =	shalt  }
0x82: {  	_ =	shalt  }
0x83: {  	_ =	shalt  }
0x84: {  	_ =	shalt  }
0x85: {  	_ =	shalt  }
0x86: {  	_ =	shalt  }
0x87: {  	_ =	shalt  }
.Lfunc_end0:
.L_simem_size_0:
called_computation_lowered:
.L_overlay_start_0:
0x88: {  	s0 =	sld [smem:$0x3FD9]  }
0x89: {  	s1 =	sld [smem:$0x3FFE];
	_ =	sdelay $0x3  }
0x8a: {  	s0 =	sadd.s32 s1, s0  }
0x8b: {  	[smem:$0x3FC6] =	sst s0  }
0x8c: {  	_ = 	snop  }
0x8d: {  	s0 =	sld [smem:$0x3FD0];
	(tm) =	ssettm $0x1  }
0x8e: {  	s16 =	sld [smem:$0x3FFB];
	_ =	sdelay $0x3  }
0x8f: {  	_ =	strace s16  }
0x90: {  	s1 =	sld [smem:$0x3FFC];
	_ =	sdelay $0x3  }
0x91: {  	_ =	strace s1  }
0x92: {  	s1 =	sld [smem:$0x3FFD];
	_ =	sdelay $0x3  }
0x93: {  	_ =	strace s1  }
0x94: {  	_ =	strace $0x8FFFFFFF  }
0x95: {  	s17 =	sld [smem:$0x3FDB];
	_ =	sdelay $0x1  }
0x96: {  	s2 =	simm.s32 $_scs_section_size  }
0x97: {  	s3 =	simm.s32 $_size__tile_overlayer_lowered;
	s4 =	simm.s32 $_tile_overlayer_lowered  }
0x98: {  	s20 =	simm.s32 $0x1BFF;
	s19 =	sshll.u32 s4, $0x1;
	s1 =	sadd.s32 s2, s17  }
0x99: {  	s5 =	simm.s32 $0x0;
	s18 =	sshll.u32 s3, $0x1;
	s3 =	sadd.s32 s19, s1  }
0x9a: {  	[timem:s5], [sflag:s20] =	dma.local [hbm:s3], s18  }
0x9b: {  	_ =	swait.ge [sflag:s20], s18  }
0x9c: {  	s2 =	ssub.s32 $0x0, s18;
	[sflag:s20] =	ssyncset.done $0x0  }
0x9d: {  	[sflag:s20] =	ssyncadd.s32 s2;
	_ =	sdelay $0x1  }
0x9e: {  	s21 =	simm.s32 $0x1B8B  }
0x9f: {  	_ =	swait.ge [sflag:s21], $0x1  }
0xa0: {  	[sflag:s21] =	ssyncset.done $0x0  }
0xa1: {  	s23 =	simm.s32 $0x1B8E;
	s22 =	sld [smem:$0x3FFE];
	[sflag:s21] =	ssyncadd.s32 $0xFFFFFFFF  }
0xa2: {  	s24 =	simm.s32 $execute0_lowered;
	[smem:$0x3FD2] =	sst s23  }
0xa3: {  	s3 =	sshll.u32 s24, $0x1;
	_ =	strace $0x80000046;
	[dreg:$0x1] =	wrdreg $0xFFFFFFFF  }
0xa4: {  	s25 =	simm.s32 $_size_execute0_lowered;
	s1 =	sadd.s32 s1, s3;
	[dreg:$0x0] =	wrdreg $0x0  }
0xa5: {  	s3 =	sshll.u32 s25, $0x1;
	[dreg:$0x2] =	wrdreg s1  }
0xa6: {  	[dreg:$0x3] =	wrdreg s3  }
0xa7: {  	[dreg:$0x4] =	wrdreg $0xC0  }
0xa8: {  	_ =	task [dreg:s5], $0x5FFFF  }
0xa9: {  	[dreg:$0x1] =	wrdreg $0xFFFFFFFF  }
0xaa: {  	[dreg:$0x0] =	wrdreg $0x60  }
0xab: {  	[dreg:$0x2] =	wrdreg s22  }
0xac: {  	[dreg:$0x3] =	wrdreg s0  }
0xad: {  	[dreg:$0x4] =	wrdreg $0x1B1000  }
0xae: {  	[dreg:$0x5] =	wrdreg $0x9  }
0xaf: {  	_ =	task.clear_ibuf [dreg:s5], $0x6FFFF;
	_ =	strace $0x90000046  }
0xb0: {  	s26 =	simm.s32 $0x9;
	_ =	strace $0x80000048  }
0xb1: {  	_ =	swait.ge [sflag:s26], $0x1  }
0xb2: {  	[sflag:s26] =	ssyncadd.s32 $0xFFFFFFFF  }
0xb3: {  	_ =	strace $0x90000048  }
0xb4: {  	_ =	sfence  }
0xb5: {  	s28 =	sld [smem:$0x0];
	_ =	sdelay $0x1  }
0xb6: {  	s29 =	srdreg.scid  }
0xb7: {  	s30 =	sshll.u32 s29, $0xD;
	s31 =	sshrl.u32 s29, $0x2  }
0xb8: {  	s2 =	sand.u32 $0x4000, s30;
	s1 =	sand.u32 $0x1, s29;
	s0 =	sadd.s32 s31, s28  }
0xb9: {  	s1 =	sor.u32 s2, s1;
	s0 =	sshll.u32 s0, $0x11  }
0xba: {  	s0 =	sor.u32 s0, s1  }
0xbb: {  	s0 =	sadd.s32 $0x8F2B, s0  }
0xbc: {  	[sflag:s0] =	ssyncadd.remote.s32 $0x1  }
0xbd: {  	_ =	sfence.sel $0xFFFF  }
0xbe: {  	[dreg:$0x0] =	wrdreg $0xFFFFFFFF;
	(pc) =	sbr.abs _section_cstart, $3  }
0xbf: {  	[dreg:$0x1] =	wrdreg $0xFFFFFFFF  }
0xc0: {  	_ =	task.clear_ibuf [dreg:s5], $0x2FFFF;
	_ =	strace $0x9FFFFFFF  }
0xc1: {  	(tm) =	ssettm $0x7FFFFFFF  }
tec
execute0_lowered:
.L_overlay_start_1:
0x0: {  	(tag) =	ssettag $0x1  }
0x1: {  	s1 =	rddreg [dreg:$0x0]  }
0x2: {  	s5 =	rddreg [dreg:$0x1];
	s2 =	stileid.u32  }
0x3: {  	s3 =	rddreg [dreg:$0x2];
	s6 =	smul.u32 $0x2400, s2  }
0x4: {  	s0 =	rddreg [dreg:$0x3];
	s4 =	simm.s32 $0x0  }
0x5: {  	[smem:$0x7FF] =	sst s4;
	s6 =	sadd.s32 s6, s1  }
0x6: {  	s31 =	simm.s32 $0x1;
	_ =	strace $0x80000047;
	s6 =	sadd.s32 $0x1200, s6  }
0x7: {  	[tilespmem:s4], [sflag:$0x1] =	stream.linear.gather [hbm4b:s6+s4], $0x12000, $0x38;
	[tilespmem:$0x1B900] =	vst v63  }
0x8: {  	_ =	swait.ge [sflag:s31], $0x12000  }
0x9: {  	[sflag:s31] =	ssyncset.done $0x0  }
0xa: {  	s7 =	simm.s32 $0x12000;
	[sflag:s31] =	ssyncadd.s32 $0xFFFEE000  }
0xb: {  	[tilespmem:s7], [sflag:$0x1] =	stream.linear.gather [hbm4b:s5+s4], $0x80, $0x38;
	[tilespmem:$0x1B900] =	vst v63  }
0xc: {  	_ =	swait.ge [sflag:s31], $0x80  }
0xd: {  	[sflag:s31] =	ssyncset.done $0x0  }
0xe: {  	[sflag:s31] =	ssyncadd.s32 $0xFFFFFF80  }
0xf: {  	v1 =	vimm.s32 $0x0;
	s1 =	sadd.s32 $0x25200, s1;
	v0 =	vld [tilespmem:$0x12000]  }
.LBB2_1:
0x10: {  	p0 =	sne.s32 s4, $0x1FC0  }
.Ltmp0:
0x11: {  	_ = 	snop;
	(pc) =	sbr.rel @p0 .LBB2_1-.Ltmp0, $3  }
0x12: {  	_ =	sdelay $0x1  }
0x13: {  	s5 =	sshra.s32 s4, $0x2  }
0x14: {  	s4 =	sadd.s32 $0x40, s4;
	[tilespmem:s5+$0x12080] =	vst v1  }
0x15: {  	v1 =	vimm.s32 $0x1;
	s5 =	simm.s32 $0x12080;
	s6 =	simm.s32 $0x0;
	s4 =	simm.s32 $0x40  }
.LBB2_3:
0x16: {  	p0 =	sne.s32 s4, $0x47FC0;
	v2 =	vld [tilespmem:s6+$0x0];
	_ =	sdelay $0x4  }
0x17: {  	vm0 =	vgt.s32 v2, $0xFFFFFFFF;
	v2 =	vshrl.u32 v2, $0x14  }
0x18: {  	v2 =	vand.u32 $0x7FF, v2  }
.Ltmp1:
0x19: {  	(pc) =	sbr.rel @p0 .LBB2_3-.Ltmp1, $2  }
0x1a: {  	_ =	sdelay $0x2  }
0x1b: {  	s6 =	sshra.s32 s4, $0x2;
	s4 =	sadd.s32 $0x40, s4;
	[tilespmem:v2+s5+$0x0] =	vst.idx.add.s32.msk vm0, v1  }
0x1c: {  	v2 =	vld [tilespmem:s6+$0x0];
	_ =	sdelay $0x4  }
0x1d: {  	vm0 =	vgt.s32 v2, $0xFFFFFFFF;
	v2 =	vshrl.u32 v2, $0x14  }
0x1e: {  	v2 =	vand.u32 $0x7FF, v2;
	_ =	sdelay $0x1  }
0x1f: {  	s4 =	sshll.u32 s2, $0xB  }
0x20: {  	s21 =	sshll.u32 s2, $0x7;
	s22 =	simm.s32 $0x80;
	s4 =	sand.u32 $0x4000, s4  }
0x21: {  	s23 =	simm.s32 $0x400;
	s6 =	sand.u32 $0x380, s21;
	s4 =	sadd.s32 s4, s3  }
0x22: {  	s7 =	simm.s32 $0x12080;
	s24 =	simm.s32 $0x1;
	s4 =	sadd.s32 s6, s4;
	[tilespmem:v2+s5+$0x0] =	vst.idx.add.s32.msk vm0, v1  }
0x23: {  	[spmem:s4] =	stream.strided.scatter [tilespmem:s7], [sflag:$0x1], $0x800, s23, s22, $0x38;
	[tilespmem:$0x1B900] =	vst v63  }
0x24: {  	_ =	swait.ge [sflag:s24], $0x800  }
0x25: {  	[sflag:s24] =	ssyncset.done $0x0  }
0x26: {  	[sflag:s24] =	ssyncadd.s32 $0xFFFFF800  }
0x27: {  	s25 =	simm.s32 $0x13080;
	[bflag:$0x0] =	sbarrier.arrive $0xFFFF  }
0x28: {  	[tilespmem:s25], [sflag:$0x1] =	stream.linear.gather [spmem:s3], $0x8000, $0x38;
	[tilespmem:$0x1B900] =	vst v63  }
0x29: {  	s26 =	simm.s32 $0x0;
	_ =	swait.ge [sflag:s24], $0x8000  }
0x2a: {  	s28 =	sand.u32 $0x70, s26;
	s6 =	sand.u32 $0x3C00, s26;
	[sflag:s24] =	ssyncset.done $0x0  }
0x2b: {  	s29 =	sor.u32 s28, s6;
	[sflag:s24] =	ssyncadd.s32 $0xFFFF8000  }
0x2c: {  	s6 =	sadd.s32 $0x13080, s29;
	[bflag:$0x0] =	sbarrier.arrive $0xFFFF  }
0x2d: {  	v1 =	vld [tilespmem:s6+$0x80]  }
0x2e: {  	v2 =	vld [tilespmem:s29+$0x13080]  }
0x2f: {  	v3 =	vld [tilespmem:s6+$0x100]  }
0x30: {  	v4 =	vld [tilespmem:s6+$0x180]  }
0x31: {  	v5 =	vld [tilespmem:s6+$0x200]  }
0x32: {  	v6 =	vld [tilespmem:s6+$0x280]  }
0x33: {  	v1 =	vadd.s32 v2, v1;
	v2 =	vld [tilespmem:s6+$0x300]  }
0x34: {  	v1 =	vadd.s32 v3, v1;
	v3 =	vld [tilespmem:s6+$0x380]  }
0x35: {  	v58 =	vld [tilespmem:s29+$0x17080];
	v1 =	vadd.s32 v4, v1  }
0x36: {  	v59 =	vld [tilespmem:s29+$0x17100];
	v1 =	vadd.s32 v5, v1  }
0x37: {  	v60 =	vld [tilespmem:s29+$0x17180];
	v1 =	vadd.s32 v6, v1  }
0x38: {  	v1 =	vadd.s32 v2, v1;
	v2 =	vld [tilespmem:s29+$0x17200]  }
0x39: {  	v1 =	vadd.s32 v3, v1;
	v3 =	vld [tilespmem:s29+$0x17280]  }
0x3a: {  	v61 =	vld [tilespmem:s29+$0x17300];
	v1 =	vadd.s32 v58, v1  }
0x3b: {  	v62 =	vld [tilespmem:s29+$0x17380];
	v1 =	vadd.s32 v59, v1  }
0x3c: {  	v63 =	vld [tilespmem:s29+$0x17400];
	v1 =	vadd.s32 v60, v1  }
0x3d: {  	v1 =	vadd.s32 v2, v1  }
0x3e: {  	v1 =	vadd.s32 v3, v1  }
0x3f: {  	s30 =	simm.s32 $0x10;
	s7 =	simm.s32 $0x80;
	v1 =	vadd.s32 v61, v1  }
0x40: {  	s31 =	sand.u32 $0x70, s30;
	s8 =	sand.u32 $0x3C00, s7;
	v1 =	vadd.s32 v62, v1  }
0x41: {  	s5 =	simm.s32 $0x12880;
	s6 =	sor.u32 s31, s8;
	s8 =	simm.s32 $0x20;
	v1 =	vadd.s32 v63, v1  }
.LBB2_5:
0x42: {  	p0 =	sne.s32 s8, $0x7F0;
	s9 =	sadd.s32 $0x13080, s6;
	[tilespmem:s5+$0x0] =	vst v1  }
0x43: {  	v1 =	vld [tilespmem:s9+$0x80]  }
0x44: {  	v2 =	vld [tilespmem:s6+$0x13080]  }
0x45: {  	v3 =	vld [tilespmem:s9+$0x100]  }
0x46: {  	v4 =	vld [tilespmem:s9+$0x180]  }
0x47: {  	v5 =	vld [tilespmem:s9+$0x200]  }
0x48: {  	v6 =	vld [tilespmem:s9+$0x280]  }
0x49: {  	v1 =	vadd.s32 v2, v1;
	v2 =	vld [tilespmem:s9+$0x300]  }
0x4a: {  	v1 =	vadd.s32 v3, v1;
	v3 =	vld [tilespmem:s9+$0x380]  }
0x4b: {  	v1 =	vadd.s32 v4, v1;
	v4 =	vld [tilespmem:s6+$0x17080]  }
0x4c: {  	v1 =	vadd.s32 v5, v1;
	v5 =	vld [tilespmem:s6+$0x17100]  }
0x4d: {  	v1 =	vadd.s32 v6, v1;
	v6 =	vld [tilespmem:s6+$0x17180]  }
0x4e: {  	v1 =	vadd.s32 v2, v1;
	v2 =	vld [tilespmem:s6+$0x17200]  }
0x4f: {  	v1 =	vadd.s32 v3, v1;
	v3 =	vld [tilespmem:s6+$0x17280]  }
0x50: {  	v1 =	vadd.s32 v4, v1;
	v4 =	vld [tilespmem:s6+$0x17300]  }
0x51: {  	v1 =	vadd.s32 v5, v1;
	v5 =	vld [tilespmem:s6+$0x17380]  }
0x52: {  	v1 =	vadd.s32 v6, v1;
	v6 =	vld [tilespmem:s6+$0x17400]  }
.Ltmp2:
0x53: {  	v1 =	vadd.s32 v2, v1;
	(pc) =	sbr.rel @p0 .LBB2_5-.Ltmp2, $4  }
0x54: {  	v1 =	vadd.s32 v3, v1  }
0x55: {  	s7 =	sadd.s32 $0x80, s7;
	v1 =	vadd.s32 v4, v1  }
0x56: {  	s9 =	sand.u32 $0x3C00, s7;
	s6 =	sand.u32 $0x70, s8;
	v1 =	vadd.s32 v5, v1  }
0x57: {  	s5 =	sadd.s32 $0x10, s5;
	s8 =	sadd.s32 $0x10, s8;
	s6 =	sor.u32 s6, s9;
	v1 =	vadd.s32 v6, v1  }
0x58: {  	s7 =	sadd.s32 $0x13080, s6;
	[tilespmem:s5+$0x0] =	vst v1  }
0x59: {  	v1 =	vld [tilespmem:s7+$0x80]  }
0x5a: {  	v2 =	vld [tilespmem:s6+$0x13080]  }
0x5b: {  	v3 =	vld [tilespmem:s7+$0x100]  }
0x5c: {  	v4 =	vld [tilespmem:s7+$0x180]  }
0x5d: {  	v5 =	vld [tilespmem:s7+$0x200]  }
0x5e: {  	v6 =	vld [tilespmem:s7+$0x280]  }
0x5f: {  	v1 =	vadd.s32 v2, v1;
	v2 =	vld [tilespmem:s7+$0x300]  }
0x60: {  	v1 =	vadd.s32 v3, v1;
	v3 =	vld [tilespmem:s7+$0x380]  }
0x61: {  	v1 =	vadd.s32 v4, v1;
	v4 =	vld [tilespmem:s6+$0x17080]  }
0x62: {  	v1 =	vadd.s32 v5, v1;
	v5 =	vld [tilespmem:s6+$0x17100]  }
0x63: {  	v1 =	vadd.s32 v6, v1;
	v6 =	vld [tilespmem:s6+$0x17180]  }
0x64: {  	v1 =	vadd.s32 v2, v1;
	v2 =	vld [tilespmem:s6+$0x17200]  }
0x65: {  	v1 =	vadd.s32 v3, v1;
	v3 =	vld [tilespmem:s6+$0x17280]  }
0x66: {  	v1 =	vadd.s32 v4, v1;
	v4 =	vld [tilespmem:s6+$0x17300]  }
0x67: {  	v1 =	vadd.s32 v5, v1;
	v5 =	vld [tilespmem:s6+$0x17380]  }
0x68: {  	v1 =	vadd.s32 v6, v1;
	v6 =	vld [tilespmem:s6+$0x17400]  }
0x69: {  	v1 =	vadd.s32 v2, v1  }
0x6a: {  	v1 =	vadd.s32 v3, v1  }
0x6b: {  	v1 =	vadd.s32 v4, v1  }
0x6c: {  	v1 =	vadd.s32 v5, v1  }
0x6d: {  	s28 =	sadd.s32 $0x10, s5;
	v1 =	vadd.s32 v6, v1  }
0x6e: {  	s29 =	simm.s32 $0x13070;
	[tilespmem:s28+$0x0] =	vst v1  }
0x6f: {  	v3 =	vld [tilespmem:s29+$0x0]  }
0x70: {  	v1 =	vlaneseq.u32  }
0x71: {  	v1 =	vmul.u32 $0xFFFFFFFF, v1;
	_ =	sdelay $0x1  }
0x72: {  	v2 =	vadd.s32 $0xF, v1  }
0x73: {  	v1 =	vperm.xlane v3, v2;
	_ =	sdelay $0x1  }
0x74: {  	(xrf0) =	vadd.scan.msk.s32 $0xffff, v1  }
0x75: {  	s30 =	simm.s32 $0x13060  }
0x76: {  	v5 =	vld [tilespmem:s30+$0x0];
	_ =	sdelay $0x2  }
0x77: {  	(xrf0) =	vadd.scan.msk.s32 $0xffff, v3  }
0x78: {  	v1 =	vimm.s32 $0x0;
	v3, _, _ =	vpop (xrf0)  }
0x79: {  	v7 =	vperm.xlane v5, v2;
	v3 =	vadd.s32 v1, v3  }
0x7a: {  	vm0 =	vge.s32 v3, v0  }
0x7b: {  	(xrf0) =	vadd.scan.msk.s32 $0xffff, v7;
	v3 =	vmpcnt.ones.xlane vm0;
	v4 =	vmctz.xlane vm0  }
0x7c: {  	s31 =	simm.s32 $0x7FF;
	v8 =	vimm.s32 $0x0;
	s7 =	simm.s32 $0x13050;
	v7 =	vimm.s32 $0x0;
	vm0 =	veq.s32 v1, $0x0  }
0x7d: {  	s5 =	simm.s32 $0x7DF;
	s8 =	simm.s32 $0x7CF;
	s6 =	simm.s32 $0x7EF;
	v9, _, _ =	vpop (xrf0);
	vm1 =	vgt.s32 v3, $0x0;
	v6 =	vsub.s32 s31, v4;
	v4 =	vld [tilespmem:s7+$0x0];
	v3 =	vimm.s32 $0x0  }
.LBB2_7:
0x7e: {  	p0 =	sne.s32 s8, $0xF;
	vm2 =	vmand vm0, vm1;
	v8 =	vsel vm1, $0x1, v8;
	v9 =	vbroadcast v9, $0xF  }
0x7f: {  	vm0 =	veq.s32 v8, $0x0;
	v3 =	vsel vm2, v6, v3  }
0x80: {  	(xrf0) =	vadd.scan.msk.s32 $0xffff, v5;
	v10 =	vnsel vm0, $0x0, v9  }
0x81: {  	v6, _, _ =	vpop (xrf0);
	v7 =	vadd.s32 v7, v10  }
.Ltmp3:
0x82: {  	v9 =	vperm.xlane v4, v2;
	v6 =	vadd.s32 v7, v6;
	v5 =	vmov v4;
	(pc) =	sbr.rel @p0 .LBB2_7-.Ltmp3, $4  }
0x83: {  	vm1 =	vge.s32 v6, v0  }
0x84: {  	(xrf0) =	vadd.scan.msk.s32 $0xffff, v9;
	v6 =	vmpcnt.ones.xlane vm1;
	v10 =	vmctz.xlane vm1  }
0x85: {  	s7 =	sadd.s32 $0xFFFFFFF0, s7  }
0x86: {  	v4 =	vld [tilespmem:s7+$0x0];
	vm1 =	vgt.s32 v6, $0x0;
	v6 =	vsub.s32 s6, v10;
	v9, _, _ =	vpop (xrf0);
	s6 =	smov.u32 s5;
	s5 =	smov.u32 s8;
	s8 =	sadd.s32 $0xFFFFFFF0, s8  }
0x87: {  	v8 =	vsel vm1, $0x1, v8;
	v9 =	vbroadcast v9, $0xF  }
0x88: {  	vm2 =	veq.s32 v8, $0x0  }
0x89: {  	(xrf0) =	vadd.scan.msk.s32 $0xffff, v5;
	v5 =	vnsel vm2, $0x0, v9  }
0x8a: {  	v63, _, _ =	vpop (xrf0);
	v5 =	vadd.s32 v7, v5  }
0x8b: {  	v2 =	vperm.xlane v4, v2;
	v7 =	vadd.s32 v5, v63  }
0x8c: {  	vm3 =	vge.s32 v7, v0  }
0x8d: {  	(xrf0) =	vadd.scan.msk.s32 $0xffff, v2;
	v2 =	vmpcnt.ones.xlane vm3;
	_ =	sdelay $0x3  }
0x8e: {  	vm4 =	vgt.s32 v2, $0x0;
	v2, _, _ =	vpop (xrf0)  }
0x8f: {  	v7 =	vsel vm4, $0x1, v8;
	v2 =	vbroadcast v2, $0xF  }
0x90: {  	vm5 =	veq.s32 v7, $0x0  }
0x91: {  	v2 =	vnsel vm5, $0x0, v2  }
0x92: {  	v2 =	vadd.s32 v5, v2;
	v5, _, _ =	vpop (xrf0)  }
0x93: {  	v2 =	vadd.s32 v2, v5  }
0x94: {  	vm0 =	vmand vm0, vm1;
	v5 =	vmctz.xlane vm3;
	vm13 =	vge.s32 v2, v0  }
0x95: {  	v3 =	vsel vm0, v6, v3;
	(xrf0) =	vadd.scan.msk.s32 $0xffff, v4;
	v4 =	vmpcnt.ones.xlane vm13  }
0x96: {  	vm14 =	vmand vm2, vm4;
	v2 =	vsub.s32 s6, v5;
	v5 =	vmctz.xlane vm13  }
0x97: {  	s30 =	simm.s32 $0x12880;
	v2 =	vsel vm14, v2, v3;
	vm15 =	vgt.s32 v4, $0x0  }
0x98: {  	s31 =	simm.s32 $0x0;
	v6 =	vld [tilespmem:s30+$0x0];
	v3 =	vlaneseq.u32;
	v4 =	vsub.s32 s5, v5;
	vm0 =	vmand vm5, vm15  }
0x99: {  	v2 =	vsel vm0, v4, v2;
	v4 =	vor.u32 s31, v3;
	_ =	sdelay $0x2  }
0x9a: {  	vm0 =	vgt.s32 v4, v2;
	v4, _, _ =	vpop (xrf0)  }
0x9b: {  	s6 =	simm.s32 $0x12890;
	s5 =	simm.s32 $0x10;
	v4 =	vnsel vm0, $0x0, v6  }
.LBB2_9:
0x9c: {  	v5 =	vld [tilespmem:s6+$0x0];
	p0 =	sne.s32 s5, $0x7F0;
	v1 =	vadd.s32 v1, v4;
	s7 =	smov.u32 s5;
	s5 =	sadd.s32 $0x10, s5  }
.Ltmp4:
0x9d: {  	(pc) =	sbr.rel @p0 .LBB2_9-.Ltmp4, $4  }
0x9e: {  	_ = 	snop  }
0x9f: {  	v4 =	vor.u32 s7, v3  }
0xa0: {  	vm0 =	vgt.s32 v4, v2  }
0xa1: {  	s6 =	sadd.s32 $0x10, s6;
	v4 =	vnsel vm0, $0x0, v5  }
0xa2: {  	v1 =	vadd.s32 v1, v4;
	s5 =	simm.s32 $0x0;
	v3 =	vimm.s32 $0x0  }
.LBB2_11:
0xa3: {  	p0 =	sne.s32 s5, $0x1FC0  }
.Ltmp5:
0xa4: {  	_ = 	snop;
	(pc) =	sbr.rel @p0 .LBB2_11-.Ltmp5, $3  }
0xa5: {  	_ =	sdelay $0x1  }
0xa6: {  	s6 =	sshra.s32 s5, $0x2  }
0xa7: {  	s5 =	sadd.s32 $0x40, s5;
	[tilespmem:s6+$0x12080] =	vst v3  }
0xa8: {  	v3 =	vimm.s32 $0x1;
	s5 =	simm.s32 $0x12080;
	s7 =	simm.s32 $0x0;
	s6 =	simm.s32 $0x40  }
.LBB2_13:
0xa9: {  	p0 =	sne.s32 s6, $0x47FC0;
	v4 =	vld [tilespmem:s7+$0x0];
	_ =	sdelay $0x4  }
0xaa: {  	v5 =	vshra.s32 v4, $0x14  }
0xab: {  	v4 =	vshrl.u32 v4, $0xA;
	vm0 =	veq.s32 v5, v2  }
0xac: {  	v4 =	vand.u32 $0x3FF, v4  }
.Ltmp6:
0xad: {  	(pc) =	sbr.rel @p0 .LBB2_13-.Ltmp6, $2  }
0xae: {  	_ =	sdelay $0x2  }
0xaf: {  	s7 =	sshra.s32 s6, $0x2;
	s6 =	sadd.s32 $0x40, s6;
	[tilespmem:v4+s5+$0x0] =	vst.idx.add.s32.msk vm0, v3  }
0xb0: {  	v4 =	vld [tilespmem:s7+$0x0];
	_ =	sdelay $0x4  }
0xb1: {  	v5 =	vshra.s32 v4, $0x14  }
0xb2: {  	v4 =	vshrl.u32 v4, $0xA;
	vm0 =	veq.s32 v5, v2  }
0xb3: {  	v4 =	vand.u32 $0x3FF, v4;
	_ =	sdelay $0x3  }
0xb4: {  	s22 =	simm.s32 $0x80  }
0xb5: {  	s6 =	simm.s32 $0x400;
	s23 =	simm.s32 $0x12080;
	s24 =	simm.s32 $0x1;
	[tilespmem:v4+s5+$0x0] =	vst.idx.add.s32.msk vm0, v3  }
0xb6: {  	[spmem:s4] =	stream.strided.scatter [tilespmem:s23], [sflag:$0x1], $0x800, s6, s22, $0x38;
	[tilespmem:$0x1B900] =	vst v63  }
0xb7: {  	_ =	swait.ge [sflag:s24], $0x800  }
0xb8: {  	[sflag:s24] =	ssyncset.done $0x0  }
0xb9: {  	[sflag:s24] =	ssyncadd.s32 $0xFFFFF800  }
0xba: {  	s25 =	simm.s32 $0x13080;
	[bflag:$0x0] =	sbarrier.arrive $0xFFFF  }
0xbb: {  	[tilespmem:s25], [sflag:$0x1] =	stream.linear.gather [spmem:s3], $0x8000, $0x38;
	[tilespmem:$0x1B900] =	vst v63  }
0xbc: {  	s26 =	simm.s32 $0x0;
	_ =	swait.ge [sflag:s24], $0x8000  }
0xbd: {  	s28 =	sand.u32 $0x70, s26;
	s6 =	sand.u32 $0x3C00, s26;
	[sflag:s24] =	ssyncset.done $0x0  }
0xbe: {  	s29 =	sor.u32 s28, s6;
	[sflag:s24] =	ssyncadd.s32 $0xFFFF8000  }
0xbf: {  	s6 =	sadd.s32 $0x13080, s29;
	[bflag:$0x0] =	sbarrier.arrive $0xFFFF  }
0xc0: {  	v3 =	vld [tilespmem:s6+$0x80]  }
0xc1: {  	v4 =	vld [tilespmem:s29+$0x13080]  }
0xc2: {  	v5 =	vld [tilespmem:s6+$0x100]  }
0xc3: {  	v6 =	vld [tilespmem:s6+$0x180]  }
0xc4: {  	v7 =	vld [tilespmem:s6+$0x200]  }
0xc5: {  	v8 =	vld [tilespmem:s6+$0x280]  }
0xc6: {  	v3 =	vadd.s32 v4, v3;
	v4 =	vld [tilespmem:s6+$0x300]  }
0xc7: {  	v3 =	vadd.s32 v5, v3;
	v5 =	vld [tilespmem:s6+$0x380]  }
0xc8: {  	v58 =	vld [tilespmem:s29+$0x17080];
	v3 =	vadd.s32 v6, v3  }
0xc9: {  	v59 =	vld [tilespmem:s29+$0x17100];
	v3 =	vadd.s32 v7, v3  }
0xca: {  	v60 =	vld [tilespmem:s29+$0x17180];
	v3 =	vadd.s32 v8, v3  }
0xcb: {  	v3 =	vadd.s32 v4, v3;
	v4 =	vld [tilespmem:s29+$0x17200]  }
0xcc: {  	v3 =	vadd.s32 v5, v3;
	v5 =	vld [tilespmem:s29+$0x17280]  }
0xcd: {  	v61 =	vld [tilespmem:s29+$0x17300];
	v3 =	vadd.s32 v58, v3  }
0xce: {  	v62 =	vld [tilespmem:s29+$0x17380];
	v3 =	vadd.s32 v59, v3  }
0xcf: {  	v63 =	vld [tilespmem:s29+$0x17400];
	v3 =	vadd.s32 v60, v3  }
0xd0: {  	v3 =	vadd.s32 v4, v3  }
0xd1: {  	v3 =	vadd.s32 v5, v3  }
0xd2: {  	s30 =	simm.s32 $0x10;
	s7 =	simm.s32 $0x80;
	v3 =	vadd.s32 v61, v3  }
0xd3: {  	s31 =	sand.u32 $0x70, s30;
	s8 =	sand.u32 $0x3C00, s7;
	v3 =	vadd.s32 v62, v3  }
0xd4: {  	s5 =	simm.s32 $0x12880;
	s6 =	sor.u32 s31, s8;
	s8 =	simm.s32 $0x20;
	v3 =	vadd.s32 v63, v3  }
.LBB2_15:
0xd5: {  	p0 =	sne.s32 s8, $0x7F0;
	s9 =	sadd.s32 $0x13080, s6;
	[tilespmem:s5+$0x0] =	vst v3  }
0xd6: {  	v3 =	vld [tilespmem:s9+$0x80]  }
0xd7: {  	v4 =	vld [tilespmem:s6+$0x13080]  }
0xd8: {  	v5 =	vld [tilespmem:s9+$0x100]  }
0xd9: {  	v6 =	vld [tilespmem:s9+$0x180]  }
0xda: {  	v7 =	vld [tilespmem:s9+$0x200]  }
0xdb: {  	v8 =	vld [tilespmem:s9+$0x280]  }
0xdc: {  	v3 =	vadd.s32 v4, v3;
	v4 =	vld [tilespmem:s9+$0x300]  }
0xdd: {  	v3 =	vadd.s32 v5, v3;
	v5 =	vld [tilespmem:s9+$0x380]  }
0xde: {  	v3 =	vadd.s32 v6, v3;
	v6 =	vld [tilespmem:s6+$0x17080]  }
0xdf: {  	v3 =	vadd.s32 v7, v3;
	v7 =	vld [tilespmem:s6+$0x17100]  }
0xe0: {  	v3 =	vadd.s32 v8, v3;
	v8 =	vld [tilespmem:s6+$0x17180]  }
0xe1: {  	v3 =	vadd.s32 v4, v3;
	v4 =	vld [tilespmem:s6+$0x17200]  }
0xe2: {  	v3 =	vadd.s32 v5, v3;
	v5 =	vld [tilespmem:s6+$0x17280]  }
0xe3: {  	v3 =	vadd.s32 v6, v3;
	v6 =	vld [tilespmem:s6+$0x17300]  }
0xe4: {  	v3 =	vadd.s32 v7, v3;
	v7 =	vld [tilespmem:s6+$0x17380]  }
0xe5: {  	v3 =	vadd.s32 v8, v3;
	v8 =	vld [tilespmem:s6+$0x17400]  }
.Ltmp7:
0xe6: {  	v3 =	vadd.s32 v4, v3;
	(pc) =	sbr.rel @p0 .LBB2_15-.Ltmp7, $4  }
0xe7: {  	v3 =	vadd.s32 v5, v3  }
0xe8: {  	s7 =	sadd.s32 $0x80, s7;
	v3 =	vadd.s32 v6, v3  }
0xe9: {  	s9 =	sand.u32 $0x3C00, s7;
	s6 =	sand.u32 $0x70, s8;
	v3 =	vadd.s32 v7, v3  }
0xea: {  	s5 =	sadd.s32 $0x10, s5;
	s8 =	sadd.s32 $0x10, s8;
	s6 =	sor.u32 s6, s9;
	v3 =	vadd.s32 v8, v3  }
0xeb: {  	s7 =	sadd.s32 $0x13080, s6;
	[tilespmem:s5+$0x0] =	vst v3  }
0xec: {  	v3 =	vld [tilespmem:s7+$0x80]  }
0xed: {  	v4 =	vld [tilespmem:s6+$0x13080]  }
0xee: {  	v5 =	vld [tilespmem:s7+$0x100]  }
0xef: {  	v6 =	vld [tilespmem:s7+$0x180]  }
0xf0: {  	v7 =	vld [tilespmem:s7+$0x200]  }
0xf1: {  	v8 =	vld [tilespmem:s7+$0x280]  }
0xf2: {  	v3 =	vadd.s32 v4, v3;
	v4 =	vld [tilespmem:s7+$0x300]  }
0xf3: {  	v3 =	vadd.s32 v5, v3;
	v5 =	vld [tilespmem:s7+$0x380]  }
0xf4: {  	v3 =	vadd.s32 v6, v3;
	v6 =	vld [tilespmem:s6+$0x17080]  }
0xf5: {  	v3 =	vadd.s32 v7, v3;
	v7 =	vld [tilespmem:s6+$0x17100]  }
0xf6: {  	v3 =	vadd.s32 v8, v3;
	v8 =	vld [tilespmem:s6+$0x17180]  }
0xf7: {  	v3 =	vadd.s32 v4, v3;
	v4 =	vld [tilespmem:s6+$0x17200]  }
0xf8: {  	v3 =	vadd.s32 v5, v3;
	v5 =	vld [tilespmem:s6+$0x17280]  }
0xf9: {  	v3 =	vadd.s32 v6, v3;
	v6 =	vld [tilespmem:s6+$0x17300]  }
0xfa: {  	v3 =	vadd.s32 v7, v3;
	v7 =	vld [tilespmem:s6+$0x17380]  }
0xfb: {  	v3 =	vadd.s32 v8, v3;
	v8 =	vld [tilespmem:s6+$0x17400]  }
0xfc: {  	v3 =	vadd.s32 v4, v3  }
0xfd: {  	v3 =	vadd.s32 v5, v3  }
0xfe: {  	v3 =	vadd.s32 v6, v3  }
0xff: {  	v3 =	vadd.s32 v7, v3  }
0x100: {  	s28 =	sadd.s32 $0x10, s5;
	v3 =	vadd.s32 v8, v3  }
0x101: {  	s29 =	simm.s32 $0x13070;
	[tilespmem:s28+$0x0] =	vst v3  }
0x102: {  	v5 =	vld [tilespmem:s29+$0x0]  }
0x103: {  	v3 =	vlaneseq.u32  }
0x104: {  	v3 =	vmul.u32 $0xFFFFFFFF, v3;
	_ =	sdelay $0x1  }
0x105: {  	v4 =	vadd.s32 $0xF, v3  }
0x106: {  	(xrf0) =	vadd.scan.msk.s32 $0xffff, v1;
	v1 =	vperm.xlane v5, v4;
	_ =	sdelay $0x1  }
0x107: {  	(xrf0) =	vadd.scan.msk.s32 $0xffff, v1  }
0x108: {  	s30 =	simm.s32 $0x13060  }
0x109: {  	v7 =	vld [tilespmem:s30+$0x0];
	_ =	sdelay $0x1  }
0x10a: {  	v1, _, _ =	vpop (xrf0)  }
0x10b: {  	(xrf0) =	vadd.scan.msk.s32 $0xffff, v5;
	v6 =	vbroadcast v1, $0xF  }
0x10c: {  	v3 =	vimm.s32 $0x0;
	v5, _, _ =	vpop (xrf0)  }
0x10d: {  	v9 =	vperm.xlane v7, v4;
	v0 =	vsub.s32 v0, v6;
	v5 =	vadd.s32 v3, v5  }
0x10e: {  	vm0 =	vge.s32 v5, v0  }
0x10f: {  	(xrf0) =	vadd.scan.msk.s32 $0xffff, v9;
	v5 =	vmpcnt.ones.xlane vm0;
	v6 =	vmctz.xlane vm0  }
0x110: {  	s31 =	simm.s32 $0x7FF;
	v10 =	vimm.s32 $0x0;
	s7 =	simm.s32 $0x13050;
	v9 =	vimm.s32 $0x0;
	vm0 =	veq.s32 v3, $0x0  }
0x111: {  	s5 =	simm.s32 $0x7DF;
	s8 =	simm.s32 $0x7CF;
	s6 =	simm.s32 $0x7EF;
	v11, _, _ =	vpop (xrf0);
	vm1 =	vgt.s32 v5, $0x0;
	v8 =	vsub.s32 s31, v6;
	v6 =	vld [tilespmem:s7+$0x0];
	v5 =	vimm.s32 $0x0  }
.LBB2_17:
0x112: {  	p0 =	sne.s32 s8, $0xF;
	vm2 =	vmand vm0, vm1;
	v10 =	vsel vm1, $0x1, v10;
	v11 =	vbroadcast v11, $0xF  }
0x113: {  	vm0 =	veq.s32 v10, $0x0;
	v5 =	vsel vm2, v8, v5  }
0x114: {  	(xrf0) =	vadd.scan.msk.s32 $0xffff, v7;
	v12 =	vnsel vm0, $0x0, v11  }
0x115: {  	v8, _, _ =	vpop (xrf0);
	v9 =	vadd.s32 v9, v12  }
.Ltmp8:
0x116: {  	v11 =	vperm.xlane v6, v4;
	v8 =	vadd.s32 v9, v8;
	v7 =	vmov v6;
	(pc) =	sbr.rel @p0 .LBB2_17-.Ltmp8, $4  }
0x117: {  	vm1 =	vge.s32 v8, v0  }
0x118: {  	(xrf0) =	vadd.scan.msk.s32 $0xffff, v11;
	v8 =	vmpcnt.ones.xlane vm1;
	v12 =	vmctz.xlane vm1  }
0x119: {  	s7 =	sadd.s32 $0xFFFFFFF0, s7  }
0x11a: {  	v6 =	vld [tilespmem:s7+$0x0];
	vm1 =	vgt.s32 v8, $0x0;
	v8 =	vsub.s32 s6, v12;
	v11, _, _ =	vpop (xrf0);
	s6 =	smov.u32 s5;
	s5 =	smov.u32 s8;
	s8 =	sadd.s32 $0xFFFFFFF0, s8  }
0x11b: {  	v10 =	vsel vm1, $0x1, v10;
	v11 =	vbroadcast v11, $0xF  }
0x11c: {  	vm2 =	veq.s32 v10, $0x0  }
0x11d: {  	(xrf0) =	vadd.scan.msk.s32 $0xffff, v7;
	v7 =	vnsel vm2, $0x0, v11  }
0x11e: {  	v62, _, _ =	vpop (xrf0);
	v7 =	vadd.s32 v9, v7  }
0x11f: {  	v4 =	vperm.xlane v6, v4;
	v9 =	vadd.s32 v7, v62  }
0x120: {  	vm3 =	vge.s32 v9, v0  }
0x121: {  	(xrf0) =	vadd.scan.msk.s32 $0xffff, v4;
	v4 =	vmpcnt.ones.xlane vm3;
	_ =	sdelay $0x3  }
0x122: {  	vm4 =	vgt.s32 v4, $0x0;
	v4, _, _ =	vpop (xrf0)  }
0x123: {  	v63 =	vsel vm4, $0x1, v10;
	v4 =	vbroadcast v4, $0xF  }
0x124: {  	vm5 =	veq.s32 v63, $0x0  }
0x125: {  	v4 =	vnsel vm5, $0x0, v4  }
0x126: {  	v4 =	vadd.s32 v7, v4;
	v7, _, _ =	vpop (xrf0)  }
0x127: {  	v4 =	vadd.s32 v4, v7  }
0x128: {  	vm0 =	vmand vm0, vm1;
	v7 =	vmctz.xlane vm3;
	vm13 =	vge.s32 v4, v0  }
0x129: {  	v5 =	vsel vm0, v8, v5;
	(xrf0) =	vadd.scan.msk.s32 $0xffff, v6;
	v6 =	vmpcnt.ones.xlane vm13  }
0x12a: {  	vm14 =	vmand vm2, vm4;
	v4 =	vsub.s32 s6, v7;
	v7 =	vmctz.xlane vm13  }
0x12b: {  	s30 =	simm.s32 $0x12880;
	v4 =	vsel vm14, v4, v5;
	vm15 =	vgt.s32 v6, $0x0  }
0x12c: {  	s31 =	simm.s32 $0x0;
	v8 =	vld [tilespmem:s30+$0x0];
	v5 =	vlaneseq.u32;
	v6 =	vsub.s32 s5, v7;
	vm0 =	vmand vm5, vm15  }
0x12d: {  	v4 =	vsel vm0, v6, v4;
	v6 =	vor.u32 s31, v5;
	_ =	sdelay $0x2  }
0x12e: {  	vm0 =	vgt.s32 v6, v4;
	v6, _, _ =	vpop (xrf0)  }
0x12f: {  	s6 =	simm.s32 $0x12890;
	s5 =	simm.s32 $0x10;
	v6 =	vnsel vm0, $0x0, v8  }
.LBB2_19:
0x130: {  	v7 =	vld [tilespmem:s6+$0x0];
	p0 =	sne.s32 s5, $0x7F0;
	v3 =	vadd.s32 v3, v6;
	s7 =	smov.u32 s5;
	s5 =	sadd.s32 $0x10, s5  }
.Ltmp9:
0x131: {  	(pc) =	sbr.rel @p0 .LBB2_19-.Ltmp9, $4  }
0x132: {  	_ = 	snop  }
0x133: {  	v6 =	vor.u32 s7, v5  }
0x134: {  	vm0 =	vgt.s32 v6, v4  }
0x135: {  	s6 =	sadd.s32 $0x10, s6;
	v6 =	vnsel vm0, $0x0, v7  }
0x136: {  	v3 =	vadd.s32 v3, v6;
	v5 =	vimm.s32 $0x0;
	s5 =	simm.s32 $0x40;
	s6 =	simm.s32 $0x0  }
.LBB2_21:
0x137: {  	p0 =	sne.s32 s5, $0x1FC0;
	[tilespmem:s6+$0x12080] =	vst v5;
	s6 =	smov.u32 s5;
	s5 =	sadd.s32 $0x40, s5  }
.Ltmp10:
0x138: {  	(pc) =	sbr.rel @p0 .LBB2_21-.Ltmp10, $2  }
0x139: {  	_ =	sdelay $0x2  }
0x13a: {  	s6 =	sshra.s32 s6, $0x2  }
0x13b: {  	v2 =	vshll.u32 v2, $0xA  }
0x13c: {  	[tilespmem:s6+$0x12080] =	vst v5;
	s5 =	simm.s32 $0x12080;
	s7 =	simm.s32 $0x0;
	s6 =	simm.s32 $0x40;
	v2 =	vor.u32 v2, v4;
	v4 =	vimm.s32 $0x1  }
.LBB2_23:
0x13d: {  	p0 =	sne.s32 s6, $0x47FC0;
	v5 =	vld [tilespmem:s7+$0x0];
	_ =	sdelay $0x4  }
0x13e: {  	v6 =	vshra.s32 v5, $0xA  }
0x13f: {  	vm0 =	veq.s32 v6, v2  }
0x140: {  	v5 =	vand.u32 $0x3FF, v5  }
.Ltmp11:
0x141: {  	(pc) =	sbr.rel @p0 .LBB2_23-.Ltmp11, $2  }
0x142: {  	_ =	sdelay $0x2  }
0x143: {  	s7 =	sshra.s32 s6, $0x2;
	s6 =	sadd.s32 $0x40, s6;
	[tilespmem:v5+s5+$0x0] =	vst.idx.add.s32.msk vm0, v4  }
0x144: {  	v5 =	vld [tilespmem:s7+$0x0];
	_ =	sdelay $0x4  }
0x145: {  	v6 =	vshra.s32 v5, $0xA  }
0x146: {  	vm0 =	veq.s32 v6, v2  }
0x147: {  	v5 =	vand.u32 $0x3FF, v5;
	_ =	sdelay $0x3  }
0x148: {  	s21 =	simm.s32 $0x80  }
0x149: {  	s6 =	simm.s32 $0x400;
	s22 =	simm.s32 $0x12080;
	s23 =	simm.s32 $0x1;
	[tilespmem:v5+s5+$0x0] =	vst.idx.add.s32.msk vm0, v4  }
0x14a: {  	[spmem:s4] =	stream.strided.scatter [tilespmem:s22], [sflag:$0x1], $0x800, s6, s21, $0x38;
	[tilespmem:$0x1B900] =	vst v63  }
0x14b: {  	_ =	swait.ge [sflag:s23], $0x800  }
0x14c: {  	[sflag:s23] =	ssyncset.done $0x0  }
0x14d: {  	[sflag:s23] =	ssyncadd.s32 $0xFFFFF800  }
0x14e: {  	s24 =	simm.s32 $0x13080;
	[bflag:$0x0] =	sbarrier.arrive $0xFFFF  }
0x14f: {  	[tilespmem:s24], [sflag:$0x1] =	stream.linear.gather [spmem:s3], $0x8000, $0x38;
	[tilespmem:$0x1B900] =	vst v63  }
0x150: {  	s25 =	simm.s32 $0x0;
	_ =	swait.ge [sflag:s23], $0x8000  }
0x151: {  	s26 =	sand.u32 $0x70, s25;
	s3 =	sand.u32 $0x3C00, s25;
	[sflag:s23] =	ssyncset.done $0x0  }
0x152: {  	s3 =	sor.u32 s26, s3;
	[sflag:s23] =	ssyncadd.s32 $0xFFFF8000  }
0x153: {  	s28 =	sadd.s32 $0x13080, s3;
	[bflag:$0x0] =	sbarrier.arrive $0xFFFF  }
0x154: {  	v4 =	vld [tilespmem:s28+$0x80]  }
0x155: {  	v5 =	vld [tilespmem:s3+$0x13080]  }
0x156: {  	v6 =	vld [tilespmem:s28+$0x100]  }
0x157: {  	v7 =	vld [tilespmem:s28+$0x180]  }
0x158: {  	v8 =	vld [tilespmem:s28+$0x200]  }
0x159: {  	v9 =	vld [tilespmem:s28+$0x280]  }
0x15a: {  	v4 =	vadd.s32 v5, v4;
	v5 =	vld [tilespmem:s28+$0x300]  }
0x15b: {  	v4 =	vadd.s32 v6, v4;
	v6 =	vld [tilespmem:s28+$0x380]  }
0x15c: {  	v4 =	vadd.s32 v7, v4;
	v7 =	vld [tilespmem:s3+$0x17080]  }
0x15d: {  	v60 =	vld [tilespmem:s3+$0x17100];
	v4 =	vadd.s32 v8, v4  }
0x15e: {  	v61 =	vld [tilespmem:s3+$0x17180];
	v4 =	vadd.s32 v9, v4  }
0x15f: {  	v4 =	vadd.s32 v5, v4;
	v5 =	vld [tilespmem:s3+$0x17200]  }
0x160: {  	v4 =	vadd.s32 v6, v4;
	v6 =	vld [tilespmem:s3+$0x17280]  }
0x161: {  	v4 =	vadd.s32 v7, v4;
	v7 =	vld [tilespmem:s3+$0x17300]  }
0x162: {  	v62 =	vld [tilespmem:s3+$0x17380];
	v4 =	vadd.s32 v60, v4  }
0x163: {  	v63 =	vld [tilespmem:s3+$0x17400];
	v4 =	vadd.s32 v61, v4  }
0x164: {  	v4 =	vadd.s32 v5, v4  }
0x165: {  	v4 =	vadd.s32 v6, v4  }
0x166: {  	s29 =	simm.s32 $0x10;
	s5 =	simm.s32 $0x80;
	v4 =	vadd.s32 v7, v4  }
0x167: {  	s30 =	sand.u32 $0x70, s29;
	s31 =	sand.u32 $0x3C00, s5;
	v4 =	vadd.s32 v62, v4  }
0x168: {  	s6 =	simm.s32 $0x20;
	s4 =	sor.u32 s30, s31;
	s3 =	simm.s32 $0x12880;
	v4 =	vadd.s32 v63, v4  }
.LBB2_25:
0x169: {  	p0 =	sne.s32 s6, $0x7F0;
	s7 =	sadd.s32 $0x13080, s4;
	[tilespmem:s3+$0x0] =	vst v4  }
0x16a: {  	v4 =	vld [tilespmem:s7+$0x80]  }
0x16b: {  	v5 =	vld [tilespmem:s4+$0x13080]  }
0x16c: {  	v6 =	vld [tilespmem:s7+$0x100]  }
0x16d: {  	v7 =	vld [tilespmem:s7+$0x180]  }
0x16e: {  	v8 =	vld [tilespmem:s7+$0x200]  }
0x16f: {  	v9 =	vld [tilespmem:s7+$0x280]  }
0x170: {  	v4 =	vadd.s32 v5, v4;
	v5 =	vld [tilespmem:s7+$0x300]  }
0x171: {  	v4 =	vadd.s32 v6, v4;
	v6 =	vld [tilespmem:s7+$0x380]  }
0x172: {  	v4 =	vadd.s32 v7, v4;
	v7 =	vld [tilespmem:s4+$0x17080]  }
0x173: {  	v4 =	vadd.s32 v8, v4;
	v8 =	vld [tilespmem:s4+$0x17100]  }
0x174: {  	v4 =	vadd.s32 v9, v4;
	v9 =	vld [tilespmem:s4+$0x17180]  }
0x175: {  	v4 =	vadd.s32 v5, v4;
	v5 =	vld [tilespmem:s4+$0x17200]  }
0x176: {  	v4 =	vadd.s32 v6, v4;
	v6 =	vld [tilespmem:s4+$0x17280]  }
0x177: {  	v4 =	vadd.s32 v7, v4;
	v7 =	vld [tilespmem:s4+$0x17300]  }
0x178: {  	v4 =	vadd.s32 v8, v4;
	v8 =	vld [tilespmem:s4+$0x17380]  }
0x179: {  	v4 =	vadd.s32 v9, v4;
	v9 =	vld [tilespmem:s4+$0x17400]  }
.Ltmp12:
0x17a: {  	v4 =	vadd.s32 v5, v4;
	(pc) =	sbr.rel @p0 .LBB2_25-.Ltmp12, $4  }
0x17b: {  	v4 =	vadd.s32 v6, v4  }
0x17c: {  	s5 =	sadd.s32 $0x80, s5;
	v4 =	vadd.s32 v7, v4  }
0x17d: {  	s7 =	sand.u32 $0x3C00, s5;
	s4 =	sand.u32 $0x70, s6;
	v4 =	vadd.s32 v8, v4  }
0x17e: {  	s3 =	sadd.s32 $0x10, s3;
	s6 =	sadd.s32 $0x10, s6;
	s4 =	sor.u32 s4, s7;
	v4 =	vadd.s32 v9, v4  }
0x17f: {  	s5 =	sadd.s32 $0x13080, s4;
	[tilespmem:s3+$0x0] =	vst v4  }
0x180: {  	v4 =	vld [tilespmem:s5+$0x80]  }
0x181: {  	v5 =	vld [tilespmem:s4+$0x13080]  }
0x182: {  	v6 =	vld [tilespmem:s5+$0x100]  }
0x183: {  	v7 =	vld [tilespmem:s5+$0x180]  }
0x184: {  	v8 =	vld [tilespmem:s5+$0x200]  }
0x185: {  	v9 =	vld [tilespmem:s5+$0x280]  }
0x186: {  	v4 =	vadd.s32 v5, v4;
	v5 =	vld [tilespmem:s5+$0x300]  }
0x187: {  	v4 =	vadd.s32 v6, v4;
	v6 =	vld [tilespmem:s5+$0x380]  }
0x188: {  	v4 =	vadd.s32 v7, v4;
	v7 =	vld [tilespmem:s4+$0x17080]  }
0x189: {  	v4 =	vadd.s32 v8, v4;
	v8 =	vld [tilespmem:s4+$0x17100]  }
0x18a: {  	v4 =	vadd.s32 v9, v4;
	v9 =	vld [tilespmem:s4+$0x17180]  }
0x18b: {  	v4 =	vadd.s32 v5, v4;
	v5 =	vld [tilespmem:s4+$0x17200]  }
0x18c: {  	v4 =	vadd.s32 v6, v4;
	v6 =	vld [tilespmem:s4+$0x17280]  }
0x18d: {  	v4 =	vadd.s32 v7, v4;
	v7 =	vld [tilespmem:s4+$0x17300]  }
0x18e: {  	v4 =	vadd.s32 v8, v4;
	v8 =	vld [tilespmem:s4+$0x17380]  }
0x18f: {  	v4 =	vadd.s32 v9, v4;
	v9 =	vld [tilespmem:s4+$0x17400]  }
0x190: {  	v4 =	vadd.s32 v5, v4  }
0x191: {  	v4 =	vadd.s32 v6, v4  }
0x192: {  	v4 =	vadd.s32 v7, v4  }
0x193: {  	v4 =	vadd.s32 v8, v4  }
0x194: {  	s28 =	sadd.s32 $0x10, s3;
	v4 =	vadd.s32 v9, v4  }
0x195: {  	s29 =	simm.s32 $0x13070;
	[tilespmem:s28+$0x0] =	vst v4  }
0x196: {  	v6 =	vld [tilespmem:s29+$0x0]  }
0x197: {  	v4 =	vlaneseq.u32  }
0x198: {  	v4 =	vmul.u32 $0xFFFFFFFF, v4;
	_ =	sdelay $0x1  }
0x199: {  	v5 =	vadd.s32 $0xF, v4  }
0x19a: {  	(xrf0) =	vadd.scan.msk.s32 $0xffff, v3;
	v3 =	vperm.xlane v6, v5;
	_ =	sdelay $0x1  }
0x19b: {  	(xrf0) =	vadd.scan.msk.s32 $0xffff, v3  }
0x19c: {  	s30 =	simm.s32 $0x13060  }
0x19d: {  	v8 =	vld [tilespmem:s30+$0x0];
	_ =	sdelay $0x1  }
0x19e: {  	v3, _, _ =	vpop (xrf0)  }
0x19f: {  	(xrf0) =	vadd.scan.msk.s32 $0xffff, v6;
	v3 =	vbroadcast v3, $0xF  }
0x1a0: {  	v4 =	vimm.s32 $0x0;
	v6, _, _ =	vpop (xrf0)  }
0x1a1: {  	v10 =	vperm.xlane v8, v5;
	v0 =	vsub.s32 v0, v3;
	v6 =	vadd.s32 v4, v6  }
0x1a2: {  	vm0 =	vge.s32 v6, v0  }
0x1a3: {  	(xrf0) =	vadd.scan.msk.s32 $0xffff, v10;
	v6 =	vmpcnt.ones.xlane vm0;
	v7 =	vmctz.xlane vm0  }
0x1a4: {  	s31 =	simm.s32 $0x7FF;
	v11 =	vimm.s32 $0x0;
	s5 =	simm.s32 $0x13050;
	v10 =	vimm.s32 $0x0;
	vm0 =	veq.s32 v4, $0x0  }
0x1a5: {  	s3 =	simm.s32 $0x7DF;
	s6 =	simm.s32 $0x7CF;
	s4 =	simm.s32 $0x7EF;
	v12, _, _ =	vpop (xrf0);
	vm1 =	vgt.s32 v6, $0x0;
	v9 =	vsub.s32 s31, v7;
	v7 =	vld [tilespmem:s5+$0x0];
	v6 =	vimm.s32 $0x0  }
.LBB2_27:
0x1a6: {  	p0 =	sne.s32 s6, $0xF;
	vm2 =	vmand vm0, vm1;
	v11 =	vsel vm1, $0x1, v11;
	v12 =	vbroadcast v12, $0xF  }
0x1a7: {  	vm0 =	veq.s32 v11, $0x0;
	v6 =	vsel vm2, v9, v6  }
0x1a8: {  	(xrf0) =	vadd.scan.msk.s32 $0xffff, v8;
	v13 =	vnsel vm0, $0x0, v12  }
0x1a9: {  	v9, _, _ =	vpop (xrf0);
	v10 =	vadd.s32 v10, v13  }
.Ltmp13:
0x1aa: {  	v12 =	vperm.xlane v7, v5;
	v9 =	vadd.s32 v10, v9;
	v8 =	vmov v7;
	(pc) =	sbr.rel @p0 .LBB2_27-.Ltmp13, $4  }
0x1ab: {  	vm1 =	vge.s32 v9, v0  }
0x1ac: {  	(xrf0) =	vadd.scan.msk.s32 $0xffff, v12;
	v9 =	vmpcnt.ones.xlane vm1;
	v13 =	vmctz.xlane vm1  }
0x1ad: {  	s5 =	sadd.s32 $0xFFFFFFF0, s5  }
0x1ae: {  	v7 =	vld [tilespmem:s5+$0x0];
	vm1 =	vgt.s32 v9, $0x0;
	v9 =	vsub.s32 s4, v13;
	v12, _, _ =	vpop (xrf0);
	s4 =	smov.u32 s3;
	s3 =	smov.u32 s6;
	s6 =	sadd.s32 $0xFFFFFFF0, s6  }
0x1af: {  	v11 =	vsel vm1, $0x1, v11;
	v12 =	vbroadcast v12, $0xF  }
0x1b0: {  	vm2 =	veq.s32 v11, $0x0  }
0x1b1: {  	(xrf0) =	vadd.scan.msk.s32 $0xffff, v8;
	v8 =	vnsel vm2, $0x0, v12  }
0x1b2: {  	v62, _, _ =	vpop (xrf0);
	v8 =	vadd.s32 v10, v8  }
0x1b3: {  	v5 =	vperm.xlane v7, v5;
	v10 =	vadd.s32 v8, v62  }
0x1b4: {  	vm3 =	vge.s32 v10, v0  }
0x1b5: {  	(xrf0) =	vadd.scan.msk.s32 $0xffff, v5;
	v5 =	vmpcnt.ones.xlane vm3;
	_ =	sdelay $0x3  }
0x1b6: {  	vm4 =	vgt.s32 v5, $0x0;
	v5, _, _ =	vpop (xrf0)  }
0x1b7: {  	v63 =	vsel vm4, $0x1, v11;
	v5 =	vbroadcast v5, $0xF  }
0x1b8: {  	vm5 =	veq.s32 v63, $0x0  }
0x1b9: {  	v5 =	vnsel vm5, $0x0, v5  }
0x1ba: {  	v5 =	vadd.s32 v8, v5;
	v8, _, _ =	vpop (xrf0)  }
0x1bb: {  	v5 =	vadd.s32 v5, v8  }
0x1bc: {  	vm0 =	vmand vm0, vm1;
	v8 =	vmctz.xlane vm3;
	vm13 =	vge.s32 v5, v0  }
0x1bd: {  	v6 =	vsel vm0, v9, v6;
	v5 =	vmpcnt.ones.xlane vm13  }
0x1be: {  	vm14 =	vmand vm2, vm4;
	(xrf0) =	vadd.scan.msk.s32 $0xffff, v7;
	v0 =	vsub.s32 s4, v8;
	v7 =	vmctz.xlane vm13  }
0x1bf: {  	s30 =	simm.s32 $0x12880;
	v0 =	vsel vm14, v0, v6;
	vm15 =	vgt.s32 v5, $0x0  }
0x1c0: {  	s31 =	simm.s32 $0x0;
	v8 =	vld [tilespmem:s30+$0x0];
	v6 =	vsub.s32 s3, v7;
	v5 =	vlaneseq.u32;
	vm0 =	vmand vm5, vm15  }
0x1c1: {  	v0 =	vsel vm0, v6, v0;
	v6 =	vor.u32 s31, v5;
	_ =	sdelay $0x2  }
0x1c2: {  	vm0 =	vgt.s32 v6, v0;
	v6, _, _ =	vpop (xrf0)  }
0x1c3: {  	s4 =	simm.s32 $0x12890;
	s3 =	simm.s32 $0x10;
	v6 =	vnsel vm0, $0x0, v8  }
.LBB2_29:
0x1c4: {  	v7 =	vld [tilespmem:s4+$0x0];
	p0 =	sne.s32 s3, $0x7F0;
	v4 =	vadd.s32 v4, v6;
	s5 =	smov.u32 s3;
	s3 =	sadd.s32 $0x10, s3  }
.Ltmp14:
0x1c5: {  	(pc) =	sbr.rel @p0 .LBB2_29-.Ltmp14, $4  }
0x1c6: {  	_ = 	snop  }
0x1c7: {  	v6 =	vor.u32 s5, v5  }
0x1c8: {  	vm0 =	vgt.s32 v6, v0  }
0x1c9: {  	s4 =	sadd.s32 $0x10, s4;
	v6 =	vnsel vm0, $0x0, v7  }
0x1ca: {  	p0 =	sne.s32 s2, $0x0  }
0x1cb: {  	_ =	sfence.sel @p0 $0x180000  }
0x1cc: {  	[bflag:$0x0] =	sbarrier.arrive @p0 $0xFFFF  }
0x1cd: {  	_ =	strace @p0 $0x90000047  }
0x1ce: {  	v4 =	vadd.s32 v4, v6;
	[bflag:$0x2] =	sbarrier.arrive @p0 $0xFFFF  }
0x1cf: {  	(xrf0) =	vadd.scan.msk.s32 @!p0 $0xffff, v4;
	_ =	sdelay $0x5  }
0x1d0: {  	v1 =	vadd.s32 @!p0 v1, v3;
	v4, _, _ =	vpop @!p0 (xrf0)  }
0x1d1: {  	v1 =	vadd.s32 @!p0 v4, v1  }
0x1d2: {  	v1 =	vbroadcast @!p0 v1, $0xF  }
0x1d3: {  	v2 =	vshll.u32 @!p0 v2, $0xA;
	vm0 =	vcmask @!p0 $0x704  }
0x1d4: {  	v0 =	vor.u32 @!p0 v2, v0;
	v1 =	vnsel @!p0 vm0, $0x0, v1;
	vm0 =	vmmov @!p0 $0x1  }
0x1d5: {  	v0 =	vsel @!p0 vm0, v0, v1  }
0x1d6: {  	s2 =	simm.s32 @!p0 $0x0;
	s3 =	simm.s32 @!p0 $0x1B080;
	[tilespmem:$0x1B080] =	vst @!p0 v0  }
0x1d7: {  	[hbm4b:s1+s2] =	stream.linear.scatter @!p0 [tilespmem:s3], [sflag:$0x1], $0x80, $0x38;
	[tilespmem:$0x1B900] =	vst v63  }
0x1d8: {  	s1 =	simm.s32 @!p0 $0x1  }
0x1d9: {  	_ =	swait.ge @!p0 [sflag:s1], $0x80  }
0x1da: {  	[sflag:s1] =	ssyncset.done @!p0 $0x0  }
0x1db: {  	[sflag:s1] =	ssyncadd.s32 @!p0 $0xFFFFFF80  }
0x1dc: {  	_ =	sfence.sel @!p0 $0x180000  }
0x1dd: {  	[bflag:$0x0] =	sbarrier.arrive @!p0 $0xFFFF  }
0x1de: {  	_ =	strace @!p0 $0x90000047  }
0x1df: {  	s0 =	sadd.s32 @!p0 $0x100000, s0;
	[bflag:$0x2] =	sbarrier.arrive @!p0 $0xFFFF  }
0x1e0: {  	[sflag:s0] =	ssyncadd.tile.s32 @!p0 $0x1;
	_ =	shalt  }
.Lfunc_end2:
_tile_overlayer_lowered:
.L_overlay_start_2:
0x1e1: {  	(tag) =	ssettag $0x2  }
0x1e2: {  	s0 =	rddreg [dreg:$0x0];
	s2 =	stileid.u32  }
0x1e3: {  	s1 =	rddreg [dreg:$0x1];
	p0 =	sne.s32 s2, $0x0  }
0x1e4: {  	s3 =	rddreg [dreg:$0x2];
	[bflag:$0x3] =	sbarrier.arrive $0xFFFF;
	s2 =	simm.s32 @!p0 $0x1C01  }
0x1e5: {  	[timem:s3], [sflag:s2] =	dma.local @!p0 [hbm:s0], s1  }
0x1e6: {  	s0 =	simm.s32 @!p0 $0x1  }
0x1e7: {  	_ =	swait.ge @!p0 [sflag:s0], s1  }
0x1e8: {  	s1 =	ssub.s32 @!p0 $0x0, s1;
	[sflag:s0] =	ssyncset.done @!p0 $0x0  }
0x1e9: {  	[sflag:s0] =	ssyncadd.s32 @!p0 s1  }
0x1ea: {  	[bflag:$0x3] =	sbarrier.arrive $0xFFFF  }
0x1eb: {  	_ =	shalt  }

</sc_bundles>
